<compile_context>
chip_gen: v7x
topology: tpu7x:2x2x1
jax: 0.10.2.dev20260603
libtpu: 0.0.44.dev20260713+nightly
codegen_flags: <defaults>
</compile_context>

<pallas_src>
import functools

import jax
import jax.numpy as jnp
from jax import lax
from jax.experimental import pallas as pl
from jax.experimental.pallas import tpu as pltpu
from jax.experimental.pallas import tpu_sc as plsc

N = 10000
E = 320000
D = 128
M = 128
T = 4
NG = 64

NC = 2
NS = 16
NW = NC * NS
EPW = E // NW
K = 128
NP1 = 20
NP2 = 19
S1E = 2 * NP1 * K
S2E = EPW - S1E
KT = S2E - 2 * NP2 * K
ZR = 80
NZC = N // ZR
WR = 2000
EB = E // 128

BN = 1000
NB = N // BN


EBB = EB // NB


def _msgs_body(x_ref, w_ref, b_ref, ei_ref, et_ref, o_ref, oi_ref):
    i = pl.program_id(0)
    t = pl.program_id(1)
    w = w_ref[0]
    b = b_ref[pl.ds(t, 1), :]
    acc = lax.dot_general(x_ref[...], w, (((1,), (1,)), ((), ())),
                          preferred_element_type=jnp.float32)
    o_ref[0] = acc + b

    @pl.when((t == 0) & (i == 0))
    def _():
        oi_ref[...] = et_ref[...] * N + ei_ref[0]


def _build_msg_table(x, W_msg, b_msg, edge_index, et):
    return pl.pallas_call(
        _msgs_body,
        grid=(NB, T),
        in_specs=[
            pl.BlockSpec((BN, D), lambda i, t: (i, 0)),
            pl.BlockSpec((1, M, D), lambda i, t: (t, 0, 0)),
            pl.BlockSpec((T, M), lambda i, t: (0, 0)),
            pl.BlockSpec((2, EB, 128), lambda i, t: (0, 0, 0)),
            pl.BlockSpec((EB, 128), lambda i, t: (0, 0)),
        ],
        out_specs=[
            pl.BlockSpec((1, BN, M), lambda i, t: (t, i, 0)),
            pl.BlockSpec((EB, 128), lambda i, t: (0, 0)),
        ],
        out_shape=[
            jax.ShapeDtypeStruct((T, N, M), jnp.float32),
            jax.ShapeDtypeStruct((EB, 128), jnp.int32),
        ],
    )(x, W_msg, b_msg, edge_index.reshape(2, EB, 128), et.reshape(EB, 128))


def _sc_body(idx_hbm, ei_hbm, table_hbm, out_hbm,
             idx_v, dst_v, rows0, rows1, acc,
             sg0, sg1, ss0, ss1):
    c = lax.axis_index("c")
    s = lax.axis_index("s")
    wid = s * NC + c
    base = wid * EPW

    pltpu.sync_copy(idx_hbm.at[pl.ds(base, EPW)], idx_v)
    pltpu.sync_copy(ei_hbm.at[pl.ds(E + base, S1E)], dst_v)

    def _zfill(i, carry):
        rows0[i // 8, pl.ds((i % 8) * 16, 16)] = jnp.zeros((16,), jnp.float32)
        return carry
    lax.fori_loop(0, K * 8, _zfill, 0)

    def _zacc(k, carry):
        cid = k * NS + s
        @pl.when(cid < NZC)
        def _():
            pltpu.sync_copy(rows0.at[pl.ds(0, ZR)], acc.at[pl.ds(cid * ZR, ZR)])
        return carry
    lax.fori_loop(0, (NZC + NS - 1) // NS, _zacc, 0)
    plsc.subcore_barrier()

    def _gsrc(j):
        return table_hbm.at[idx_v.at[pl.ds(j * K, K)]]

    def _segment(c0, npairs):
        def _gs(j):
            return _gsrc(c0 + j)

        def _sd(j):
            return acc.at[dst_v.at[pl.ds(j * K, K)]]

        pltpu.async_copy(_gs(0), rows0, sg0)

        def _pair(jj, carry):
            j0 = 2 * jj
            j1 = j0 + 1
            pltpu.make_async_copy(_gs(j0), rows0, sg0).wait()
            @pl.when(jj > 0)
            def _():
                pltpu.make_async_copy(rows1, _sd(j1 - 2), ss1).wait()
            pltpu.async_copy(_gs(j1), rows1, sg1)
            pltpu.async_copy(rows0, _sd(j0), ss0, add=True)
            pltpu.make_async_copy(_gs(j1), rows1, sg1).wait()
            pltpu.make_async_copy(rows0, _sd(j0), ss0).wait()
            @pl.when(j0 + 2 < 2 * npairs)
            def _():
                pltpu.async_copy(_gs(j0 + 2), rows0, sg0)
            pltpu.async_copy(rows1, _sd(j1), ss1, add=True)
            return carry
        lax.fori_loop(0, npairs, _pair, 0)
        pltpu.make_async_copy(rows1, _sd(2 * npairs - 1), ss1).wait()

    _segment(0, NP1)

    pltpu.sync_copy(ei_hbm.at[pl.ds(E + base + S1E, S2E)], dst_v.at[pl.ds(0, S2E)])
    _segment(2 * NP1, NP2)

    tidx = idx_v.at[pl.ds(EPW - KT, KT)]
    tdst = dst_v.at[pl.ds(S2E - KT, KT)]
    rt = rows0.at[pl.ds(0, KT)]
    pltpu.async_copy(table_hbm.at[tidx], rt, sg0)
    pltpu.make_async_copy(table_hbm.at[tidx], rt, sg0).wait()
    pltpu.async_copy(rt, acc.at[tdst], ss0, add=True)
    pltpu.make_async_copy(rt, acc.at[tdst], ss0).wait()
    plsc.subcore_barrier()

    @pl.when(s < N // WR)
    def _():
        sl = pl.ds(s * WR, WR)
        pltpu.sync_copy(acc.at[sl], out_hbm.at[c].at[sl])


def _sc_scatter(idx, ei_flat, table_flat):
    mesh = plsc.VectorSubcoreMesh(core_axis_name="c", subcore_axis_name="s")
    f = functools.partial(
        pl.kernel,
        out_type=jax.ShapeDtypeStruct((NC, N, M), jnp.float32),
        mesh=mesh,
        scratch_types=[
            pltpu.VMEM((EPW,), jnp.int32),
            pltpu.VMEM((S1E,), jnp.int32),
            pltpu.VMEM((K, M), jnp.float32),
            pltpu.VMEM((K, M), jnp.float32),
            pltpu.VMEM_SHARED((N, M), jnp.float32),
            pltpu.SemaphoreType.DMA,
            pltpu.SemaphoreType.DMA,
            pltpu.SemaphoreType.DMA,
            pltpu.SemaphoreType.DMA,
        ],
    )(_sc_body)
    return f(idx, ei_flat, table_flat)


def _update_body(part_ref, x_ref, gid_ref, wih_ref, whh_ref, bih_ref,
                 bhh_ref, wi_ref, wj_ref, bj_ref, rd_ref, phis_ref):
    i = pl.program_id(0)
    m = part_ref[0] + part_ref[1]
    h = x_ref[...]

    gi = lax.dot_general(m, wih_ref[...], (((1,), (1,)), ((), ())),
                         preferred_element_type=jnp.float32) + bih_ref[0][None, :]
    gh = lax.dot_general(h, whh_ref[...], (((1,), (1,)), ((), ())),
                         preferred_element_type=jnp.float32) + bhh_ref[0][None, :]
    r = jax.nn.sigmoid(gi[:, :D] + gh[:, :D])
    z = jax.nn.sigmoid(gi[:, D:2 * D] + gh[:, D:2 * D])
    n = jnp.tanh(gi[:, 2 * D:] + r * gh[:, 2 * D:])
    hT = (1.0 - z) * n + z * h

    wi = wi_ref[...]
    wj = wj_ref[...]
    a = (lax.dot_general(hT, wi[:, :D], (((1,), (1,)), ((), ())),
                         preferred_element_type=jnp.float32)
         + lax.dot_general(h, wi[:, D:], (((1,), (1,)), ((), ())),
                           preferred_element_type=jnp.float32))
    b = (lax.dot_general(hT, wj[:, :D], (((1,), (1,)), ((), ())),
                         preferred_element_type=jnp.float32)
         + lax.dot_general(h, wj[:, D:], (((1,), (1,)), ((), ())),
                           preferred_element_type=jnp.float32)
         + bj_ref[0][None, :])
    rd = jax.nn.sigmoid(a) * jnp.tanh(b)
    rd_ref[...] = rd

    ids = gid_ref[...].reshape(1, BN)
    iota = lax.broadcasted_iota(jnp.int32, (NG, BN), 0)
    onehot = jnp.where(ids == iota, 1.0, 0.0)
    pb = lax.dot_general(onehot, rd, (((1,), (0,)), ((), ())),
                         preferred_element_type=jnp.float32)

    @pl.when(i == 0)
    def _init():
        phis_ref[...] = pb

    @pl.when(i > 0)
    def _acc():
        phis_ref[...] += pb


def _update(partials, x, gids3, W_ih, W_hh, b_ih, b_hh, W_i, W_j, b_j):
    full = lambda shape: pl.BlockSpec(shape, lambda i: tuple(0 for _ in shape))
    return pl.pallas_call(
        _update_body,
        grid=(NB,),
        in_specs=[
            pl.BlockSpec((NC, BN, M), lambda i: (0, i, 0)),
            pl.BlockSpec((BN, D), lambda i: (i, 0)),
            pl.BlockSpec((1, 1, BN), lambda i: (i, 0, 0)),
            full((3 * D, M)),
            full((3 * D, D)),
            full((1, 3 * D)),
            full((1, 3 * D)),
            full((D, 2 * D)),
            full((D, 2 * D)),
            full((1, D)),
        ],
        out_specs=[
            pl.BlockSpec((BN, D), lambda i: (i, 0)),
            pl.BlockSpec((NG, D), lambda i: (0, 0)),
        ],
        out_shape=[
            jax.ShapeDtypeStruct((N, D), jnp.float32),
            jax.ShapeDtypeStruct((NG, D), jnp.float32),
        ],
    )(partials, x, gids3, W_ih, W_hh, b_ih, b_hh, W_i, W_j, b_j)


def kernel(x, edge_index, edge_type, node_graph_ids, W_msg, b_msg,
           W_ih, W_hh, b_ih, b_hh, W_i, W_j, b_j):
    table, idx = _build_msg_table(x, W_msg, b_msg, edge_index, edge_type)
    table_flat = table.reshape(T * N, M)
    partials = _sc_scatter(idx.reshape(E), edge_index.reshape(2 * E),
                           table_flat)

    gids3 = node_graph_ids.reshape(NB, 1, BN)
    rd, phis = _update(partials, x, gids3, W_ih, W_hh,
                       b_ih.reshape(1, -1), b_hh.reshape(1, -1),
                       W_i, W_j, b_j.reshape(1, -1))
    return (rd, phis)

# --- scband reference (transcript-rebuilt; emitter-appended) ---
"""Pipeline reference for scband-ggnn-40484361732770 (READ-ONLY COPY).

The authoritative reference and input builder live on the scoring server;
editing this copy changes nothing except your own understanding.
"""

import jax, jax.numpy as jnp
import numpy as np

N = 10000      # nodes
E = 320000     # edges
D = 128        # in_dim (node hidden size)
M = 128        # msg_dim
T = 4          # edge_types
NG = 64        # number of graphs in the batch


def setup_inputs(seed: int = 0) -> dict:
    key = jax.random.key(seed)
    ks = jax.random.split(key, 14)
    x = jax.random.normal(ks[0], (N, D), dtype=jnp.float32)
    edge_index = jax.random.randint(ks[1], (2, E), 0, N, dtype=jnp.int32)
    edge_type = jax.random.randint(ks[2], (E,), 0, T, dtype=jnp.int32)
    node_graph_ids = jnp.sort(jax.random.randint(ks[3], (N,), 0, NG, dtype=jnp.int32))
    s = 0.05
    # GGNNMsg: one linear per edge type (msg_dim x in_dim)
    W_msg = jax.random.normal(ks[4], (T, M, D), dtype=jnp.float32) * s
    b_msg = jax.random.normal(ks[5], (T, M), dtype=jnp.float32) * s
    # nn.GRU(msg_dim, in_dim) single layer
    W_ih = jax.random.normal(ks[6], (3 * D, M), dtype=jnp.float32) * s
    W_hh = jax.random.normal(ks[7], (3 * D, D), dtype=jnp.float32) * s
    b_ih = jax.random.normal(ks[8], (3 * D,), dtype=jnp.float32) * s
    b_hh = jax.random.normal(ks[9], (3 * D,), dtype=jnp.float32) * s
    # inet: Linear(2*D -> D), sigmoid, no bias; jnet: Linear(2*D -> D), tanh, bias
    W_i = jax.random.normal(ks[10], (D, 2 * D), dtype=jnp.float32) * s
    W_j = jax.random.normal(ks[11], (D, 2 * D), dtype=jnp.float32) * s
    b_j = jax.random.normal(ks[12], (D,), dtype=jnp.float32) * s
    return {"x": x, "edge_index": edge_index, "edge_type": edge_type,
            "node_graph_ids": node_graph_ids, "W_msg": W_msg, "b_msg": b_msg,
            "W_ih": W_ih, "W_hh": W_hh, "b_ih": b_ih, "b_hh": b_hh,
            "W_i": W_i, "W_j": W_j, "b_j": b_j}


def reference(x, edge_index, edge_type, node_graph_ids, W_msg, b_msg,
              W_ih, W_hh, b_ih, b_hh, W_i, W_j, b_j):
    # in_size == ft_size -> no resample; h_0 = h = x
    h0 = x
    h = x
    src = edge_index[0]
    dst = edge_index[1]
    # --- n_update = 1 round of GGNN message passing ---
    # GGNNMsg: msg_e = W_msg[etype] @ h_src + b_msg[etype]
    # compute per-type transforms on nodes, then gather per edge (memory-bound)
    msgs_all = jnp.einsum('nd,tmd->tnm', h, W_msg)           # [T, N, M]
    m_e = msgs_all[edge_type, src] + b_msg[edge_type]        # [E, M] gather
    # sum aggregation to destination nodes (scatter-add)
    m = jax.ops.segment_sum(m_e, dst, num_segments=N)        # [N, M]
    # --- GRU update: h_new, _ = GRU(m, h) (seq_len=1) ---
    gi = m @ W_ih.T + b_ih
    gh = h @ W_hh.T + b_hh
    i_r, i_z, i_n = jnp.split(gi, 3, axis=1)
    h_r, h_z, h_n = jnp.split(gh, 3, axis=1)
    r = jax.nn.sigmoid(i_r + h_r)
    z = jax.nn.sigmoid(i_z + h_z)
    n = jnp.tanh(i_n + r * h_n)
    hT = (1.0 - z) * n + z * h                               # [N, D]
    # --- readout: sigmoid(inet([hT, h0])) * tanh(jnet([hT, h0])) ---
    cat = jnp.concatenate([hT, h0], axis=1)                  # [N, 2D]
    rd = jax.nn.sigmoid(cat @ W_i.T) * jnp.tanh(cat @ W_j.T + b_j)  # [N, D]
    # --- gather: sum pooling per graph ---
    phis = jax.ops.segment_sum(rd, node_graph_ids, num_segments=NG)  # [NG, D]
    return (rd, phis)

if __name__ == "__main__":
    import jax
    _d = setup_inputs()
    print(jax.jit(kernel)(*tuple(_d.values())))

</pallas_src>

<mosaic_0001>
#map = affine_map<(d0, d1) -> (0)>
#map1 = affine_map<(d0, d1) -> (0, 0)>
#map2 = affine_map<(d0, d1) -> (0, 0, 0)>
module attributes {stable_mosaic.version = 14 : i64} {
  func.func @_sc_body(%arg0: i32, %arg1: i32, %arg2: memref<320000xi32, #tpu.memory_space<hbm>>, %arg3: memref<640000xi32, #tpu.memory_space<hbm>>, %arg4: memref<40000x128xf32, #tpu.memory_space<hbm>>, %arg5: memref<2x10000x128xf32, #tpu.memory_space<hbm>>, %arg6: memref<10000xi32, #tpu.memory_space<vmem>>, %arg7: memref<5120xi32, #tpu.memory_space<vmem>>, %arg8: memref<128x128xf32, #tpu.memory_space<vmem>>, %arg9: memref<128x128xf32, #tpu.memory_space<vmem>>, %arg10: memref<10000x128xf32, #tpu.memory_space<vmem_shared>>, %arg11: memref<!tpu.dma_semaphore, #tpu.memory_space<semaphore_mem>>, %arg12: memref<!tpu.dma_semaphore, #tpu.memory_space<semaphore_mem>>, %arg13: memref<!tpu.dma_semaphore, #tpu.memory_space<semaphore_mem>>, %arg14: memref<!tpu.dma_semaphore, #tpu.memory_space<semaphore_mem>>) attributes {dimension_semantics = [#tpu.dimension_semantics<core_parallel>, #tpu.dimension_semantics<subcore_parallel>], iteration_bounds = array<i64: 2, 16>, scalar_prefetch = 0 : i64, scratch_operands = 9 : i64, tpu.core_type = #tpu.core_type<sc_vector_subcore>, window_params = [{transform_indices = #map}, {transform_indices = #map}, {transform_indices = #map1}, {transform_indices = #map2}]} {
    %mul3A = arith.constant 2 : i32
    %mul3A_0 = arith.muli %arg1, %mul3A : i32
    %add3A = arith.addi %mul3A_0, %arg0 : i32
    %mul3A_1 = arith.constant 10000 : i32
    %mul3A_2 = arith.muli %add3A, %mul3A_1 : i32
    "tpu.region"() ({
      %run_scoped3A = tpu.sem_alloc : memref<!tpu.dma_semaphore, #tpu.memory_space<semaphore_mem>>
      %dma_start3A_85 = tpu.memref_slice %arg2[%mul3A_2] : memref<320000xi32, #tpu.memory_space<hbm>> -> memref<10000xi32, #tpu.memory_space<hbm>>
      %dma_start3A_86 = tpu.memref_slice %arg2[%mul3A_2] : memref<320000xi32, #tpu.memory_space<hbm>> -> memref<10000xi32, #tpu.memory_space<hbm>>
      tpu.enqueue_dma source(%dma_start3A_86 : memref<10000xi32, #tpu.memory_space<hbm>>) target(%arg6 : memref<10000xi32, #tpu.memory_space<vmem>>) target_semaphore(%run_scoped3A : memref<!tpu.dma_semaphore, #tpu.memory_space<semaphore_mem>>)
      %dma_wait3A_87 = tpu.memref_slice %arg2[%mul3A_2] : memref<320000xi32, #tpu.memory_space<hbm>> -> memref<10000xi32, #tpu.memory_space<hbm>>
      %dma_wait3A_88 = tpu.memref_slice %arg2[%mul3A_2] : memref<320000xi32, #tpu.memory_space<hbm>> -> memref<10000xi32, #tpu.memory_space<hbm>>
      tpu.wait_dma2 semaphore(%run_scoped3A : memref<!tpu.dma_semaphore, #tpu.memory_space<semaphore_mem>>) src(%dma_wait3A_88 : memref<10000xi32, #tpu.memory_space<hbm>>) dst(%arg6 : memref<10000xi32, #tpu.memory_space<vmem>>)
      tpu.yield
    }) : () -> ()
    %add3A_3 = arith.constant 320000 : i32
    %add3A_4 = arith.addi %add3A_3, %mul3A_2 : i32
    "tpu.region"() ({
      %run_scoped3A = tpu.sem_alloc : memref<!tpu.dma_semaphore, #tpu.memory_space<semaphore_mem>>
      %dma_start3A_85 = tpu.memref_slice %arg3[%add3A_4] : memref<640000xi32, #tpu.memory_space<hbm>> -> memref<5120xi32, #tpu.memory_space<hbm>>
      %dma_start3A_86 = tpu.memref_slice %arg3[%add3A_4] : memref<640000xi32, #tpu.memory_space<hbm>> -> memref<5120xi32, #tpu.memory_space<hbm>>
      tpu.enqueue_dma source(%dma_start3A_86 : memref<5120xi32, #tpu.memory_space<hbm>>) target(%arg7 : memref<5120xi32, #tpu.memory_space<vmem>>) target_semaphore(%run_scoped3A : memref<!tpu.dma_semaphore, #tpu.memory_space<semaphore_mem>>)
      %dma_wait3A_87 = tpu.memref_slice %arg3[%add3A_4] : memref<640000xi32, #tpu.memory_space<hbm>> -> memref<5120xi32, #tpu.memory_space<hbm>>
      %dma_wait3A_88 = tpu.memref_slice %arg3[%add3A_4] : memref<640000xi32, #tpu.memory_space<hbm>> -> memref<5120xi32, #tpu.memory_space<hbm>>
      tpu.wait_dma2 semaphore(%run_scoped3A : memref<!tpu.dma_semaphore, #tpu.memory_space<semaphore_mem>>) src(%dma_wait3A_88 : memref<5120xi32, #tpu.memory_space<hbm>>) dst(%arg7 : memref<5120xi32, #tpu.memory_space<vmem>>)
      tpu.yield
    }) : () -> ()
    %scan3A = arith.constant 0 : i32
    %scan3A_5 = arith.constant 0 : i32
    %scan3A_6 = arith.constant 1024 : i32
    %scan3A_7 = arith.addi %scan3A_5, %scan3A_6 : i32
    %scan3A_8 = arith.constant 1 : i32
    scf.for %scan3A_85 = %scan3A_5 to %scan3A_7 step %scan3A_8  : i32 {
      %broadcast_in_dim3A = arith.constant 0.000000e+00 : f32
      %broadcast_in_dim3A_86 = vector.broadcast %broadcast_in_dim3A : f32 to vector<16xf32>
      %jit3A = arith.constant 8 : i32
      %div3A = arith.divsi %scan3A_85, %jit3A : i32
      %sign3A = arith.constant 0 : i32
      %sign3A_87 = arith.cmpi sgt, %scan3A_85, %sign3A : i32
      %sign3A_88 = arith.extui %sign3A_87 : i1 to i32
      %sign3A_89 = arith.constant 0 : i32
      %sign3A_90 = arith.cmpi slt, %scan3A_85, %sign3A_89 : i32
      %sign3A_91 = arith.extui %sign3A_90 : i1 to i32
      %sign3A_92 = arith.subi %sign3A_88, %sign3A_91 : i32
      %sign3A_93 = arith.constant 0 : i32
      %sign3A_94 = arith.cmpi sgt, %jit3A, %sign3A_93 : i32
      %sign3A_95 = arith.extui %sign3A_94 : i1 to i32
      %sign3A_96 = arith.constant 0 : i32
      %sign3A_97 = arith.cmpi slt, %jit3A, %sign3A_96 : i32
      %sign3A_98 = arith.extui %sign3A_97 : i1 to i32
      %sign3A_99 = arith.subi %sign3A_95, %sign3A_98 : i32
      %ne3A = arith.cmpi ne, %sign3A_92, %sign3A_99 : i32
      %rem3A = arith.remsi %scan3A_85, %jit3A : i32
      %ne3A_100 = arith.constant 0 : i32
      %ne3A_101 = arith.cmpi ne, %rem3A, %ne3A_100 : i32
      %and3A = arith.andi %ne3A, %ne3A_101 : i1
      %sub3A = arith.constant 1 : i32
      %sub3A_102 = arith.subi %div3A, %sub3A : i32
      %select_n3A = arith.select %and3A, %sub3A_102, %div3A : i32
      %jit3A_103 = arith.constant 8 : i32
      %eq3A = arith.constant 0 : i32
      %eq3A_104 = arith.cmpi eq, %jit3A_103, %eq3A : i32
      %jit3A_105 = arith.constant 1 : i32
      %select_n3A_106 = arith.select %eq3A_104, %jit3A_105, %jit3A_103 : i32
      %rem3A_107 = arith.remsi %scan3A_85, %select_n3A_106 : i32
      %ne3A_108 = arith.constant 0 : i32
      %ne3A_109 = arith.cmpi ne, %rem3A_107, %ne3A_108 : i32
      %lt3A_110 = arith.constant 0 : i32
      %lt3A_111 = arith.cmpi slt, %rem3A_107, %lt3A_110 : i32
      %lt3A_112 = arith.constant 0 : i32
      %lt3A_113 = arith.cmpi slt, %select_n3A_106, %lt3A_112 : i32
      %ne3A_114 = arith.xori %lt3A_111, %lt3A_113 : i1
      %and3A_115 = arith.andi %ne3A_114, %ne3A_109 : i1
      %add3A_116 = arith.addi %rem3A_107, %select_n3A_106 : i32
      %select_n3A_117 = arith.select %and3A_115, %add3A_116, %rem3A_107 : i32
      %mul3A_118 = arith.constant 16 : i32
      %mul3A_119 = arith.muli %select_n3A_117, %mul3A_118 : i32
      %swap3A = arith.index_cast %select_n3A : i32 to index
      %swap3A_120 = arith.index_cast %mul3A_119 : i32 to index
      %swap3A_121 = tpu.vector_load %arg8[%swap3A, %swap3A_120] {strides = array<i32>} : memref<128x128xf32, #tpu.memory_space<vmem>>, vector<1x16xf32>,
      %swap3A_122 = vector.shape_cast %swap3A_121 : vector<1x16xf32> to vector<16xf32>
      %swap3A_123 = vector.shape_cast %broadcast_in_dim3A_86 : vector<16xf32> to vector<1x16xf32>
      tpu.vector_store %arg8[%swap3A, %swap3A_120], %swap3A_123 {strides = array<i32>} : memref<128x128xf32, #tpu.memory_space<vmem>>, vector<1x16xf32>,
    }
    %scan3A_9 = arith.constant 1024 : i32
    %scan3A_10 = arith.constant 0 : i32
    %scan3A_11 = arith.constant 0 : i32
    %scan3A_12 = arith.constant 8 : i32
    %scan3A_13 = arith.addi %scan3A_11, %scan3A_12 : i32
    %scan3A_14 = arith.constant 1 : i32
    scf.for %scan3A_85 = %scan3A_11 to %scan3A_13 step %scan3A_14  : i32 {
      %mul3A_86 = arith.constant 16 : i32
      %mul3A_87 = arith.muli %scan3A_85, %mul3A_86 : i32
      %add3A_88 = arith.addi %mul3A_87, %arg1 : i32
      %lt3A_89 = arith.constant 125 : i32
      %lt3A_90 = arith.cmpi slt, %add3A_88, %lt3A_89 : i32
      %convert_element_type3A_91 = arith.extui %lt3A_90 : i1 to i32
      %cond3A_92 = arith.constant 0 : i32
      %cond3A_93 = arith.cmpi ne, %convert_element_type3A_91, %cond3A_92 : i32
      scf.if %cond3A_93 {
        %mul3A_94 = arith.constant 80 : i32
        %mul3A_95 = arith.muli %add3A_88, %mul3A_94 : i32
        "tpu.region"() ({
          %run_scoped3A = tpu.sem_alloc : memref<!tpu.dma_semaphore, #tpu.memory_space<semaphore_mem>>
          %dma_start3A_96 = arith.constant 0 : i32
          %dma_start3A_97 = arith.constant 0 : i32
          %dma_start3A_98 = tpu.memref_slice %arg8[%dma_start3A_96, %dma_start3A_97] : memref<128x128xf32, #tpu.memory_space<vmem>> -> memref<80x128xf32, #tpu.memory_space<vmem>>
          %dma_start3A_99 = arith.constant 0 : i32
          %dma_start3A_100 = tpu.memref_slice %arg10[%mul3A_95, %dma_start3A_99] : memref<10000x128xf32, #tpu.memory_space<vmem_shared>> -> memref<80x128xf32, #tpu.memory_space<vmem_shared>>
          %dma_start3A_101 = arith.constant 0 : i32
          %dma_start3A_102 = tpu.memref_slice %arg10[%mul3A_95, %dma_start3A_101] : memref<10000x128xf32, #tpu.memory_space<vmem_shared>> -> memref<80x128xf32, #tpu.memory_space<vmem_shared>>
          %dma_start3A_103 = arith.constant 0 : i32
          %dma_start3A_104 = arith.constant 0 : i32
          %dma_start3A_105 = tpu.memref_slice %arg8[%dma_start3A_103, %dma_start3A_104] : memref<128x128xf32, #tpu.memory_space<vmem>> -> memref<80x128xf32, #tpu.memory_space<vmem>>
          tpu.enqueue_dma source(%dma_start3A_105 : memref<80x128xf32, #tpu.memory_space<vmem>>) target(%dma_start3A_102 : memref<80x128xf32, #tpu.memory_space<vmem_shared>>) target_semaphore(%run_scoped3A : memref<!tpu.dma_semaphore, #tpu.memory_space<semaphore_mem>>)
          %dma_wait3A_106 = arith.constant 0 : i32
          %dma_wait3A_107 = arith.constant 0 : i32
          %dma_wait3A_108 = tpu.memref_slice %arg8[%dma_wait3A_106, %dma_wait3A_107] : memref<128x128xf32, #tpu.memory_space<vmem>> -> memref<80x128xf32, #tpu.memory_space<vmem>>
          %dma_wait3A_109 = arith.constant 0 : i32
          %dma_wait3A_110 = tpu.memref_slice %arg10[%mul3A_95, %dma_wait3A_109] : memref<10000x128xf32, #tpu.memory_space<vmem_shared>> -> memref<80x128xf32, #tpu.memory_space<vmem_shared>>
          %dma_wait3A_111 = arith.constant 0 : i32
          %dma_wait3A_112 = tpu.memref_slice %arg10[%mul3A_95, %dma_wait3A_111] : memref<10000x128xf32, #tpu.memory_space<vmem_shared>> -> memref<80x128xf32, #tpu.memory_space<vmem_shared>>
          %dma_wait3A_113 = arith.constant 0 : i32
          %dma_wait3A_114 = arith.constant 0 : i32
          %dma_wait3A_115 = tpu.memref_slice %arg8[%dma_wait3A_113, %dma_wait3A_114] : memref<128x128xf32, #tpu.memory_space<vmem>> -> memref<80x128xf32, #tpu.memory_space<vmem>>
          tpu.wait_dma2 semaphore(%run_scoped3A : memref<!tpu.dma_semaphore, #tpu.memory_space<semaphore_mem>>) src(%dma_wait3A_115 : memref<80x128xf32, #tpu.memory_space<vmem>>) dst(%dma_wait3A_112 : memref<80x128xf32, #tpu.memory_space<vmem_shared>>)
          tpu.yield
        }) : () -> ()
      } else {
      }
    }
    %scan3A_15 = arith.constant 8 : i32
    %barrier3A = arith.constant 0 : index
    tpu.barrier barrier_id(%barrier3A)
    %dma_start3A = arith.constant 0 : i32
    %dma_start3A_16 = tpu.memref_slice %arg6[%dma_start3A] : memref<10000xi32, #tpu.memory_space<vmem>> -> memref<128xi32, #tpu.memory_space<vmem>>
    %dma_start3A_17 = arith.constant 0 : i32
    %dma_start3A_18 = arith.constant 0 : i32
    %dma_start3A_19 = tpu.memref_slice %arg4[%dma_start3A_17, %dma_start3A_18] : memref<40000x128xf32, #tpu.memory_space<hbm>> -> memref<40000x128xf32, #tpu.memory_space<hbm>>
    tpu.enqueue_indirect_dma source(%dma_start3A_19 : memref<40000x128xf32, #tpu.memory_space<hbm>>) target(%arg8 : memref<128x128xf32, #tpu.memory_space<vmem>>) offsets(%dma_start3A_16 : memref<128xi32, #tpu.memory_space<vmem>>) semaphore(%arg11 : memref<!tpu.dma_semaphore, #tpu.memory_space<semaphore_mem>>)
    %scan3A_20 = arith.constant 0 : i32
    %scan3A_21 = arith.constant 0 : i32
    %scan3A_22 = arith.constant 20 : i32
    %scan3A_23 = arith.addi %scan3A_21, %scan3A_22 : i32
    %scan3A_24 = arith.constant 1 : i32
    scf.for %scan3A_85 = %scan3A_21 to %scan3A_23 step %scan3A_24  : i32 {
      %mul3A_86 = arith.constant 2 : i32
      %mul3A_87 = arith.muli %mul3A_86, %scan3A_85 : i32
      %add3A_88 = arith.constant 1 : i32
      %add3A_89 = arith.addi %mul3A_87, %add3A_88 : i32
      %add3A_90 = arith.constant 0 : i32
      %add3A_91 = arith.addi %add3A_90, %mul3A_87 : i32
      %mul3A_92 = arith.constant 128 : i32
      %mul3A_93 = arith.muli %add3A_91, %mul3A_92 : i32
      %dma_wait3A_94 = tpu.memref_slice %arg6[%mul3A_93] : memref<10000xi32, #tpu.memory_space<vmem>> -> memref<128xi32, #tpu.memory_space<vmem>>
      %dma_wait3A_95 = arith.constant 0 : i32
      %dma_wait3A_96 = arith.constant 0 : i32
      %dma_wait3A_97 = tpu.memref_slice %arg4[%dma_wait3A_95, %dma_wait3A_96] : memref<40000x128xf32, #tpu.memory_space<hbm>> -> memref<40000x128xf32, #tpu.memory_space<hbm>>
      tpu.wait_indirect_dma semaphore(%arg11 : memref<!tpu.dma_semaphore, #tpu.memory_space<semaphore_mem>>) src(%dma_wait3A_97 : memref<40000x128xf32, #tpu.memory_space<hbm>>) dst(%arg8 : memref<128x128xf32, #tpu.memory_space<vmem>>)
      %gt3A = arith.constant 0 : i32
      %gt3A_98 = arith.cmpi sgt, %scan3A_85, %gt3A : i32
      %convert_element_type3A_99 = arith.extui %gt3A_98 : i1 to i32
      %cond3A_100 = arith.constant 0 : i32
      %cond3A_101 = arith.cmpi ne, %convert_element_type3A_99, %cond3A_100 : i32
      scf.if %cond3A_101 {
        %sub3A = arith.constant 2 : i32
        %sub3A_143 = arith.subi %add3A_89, %sub3A : i32
        %mul3A_144 = arith.constant 128 : i32
        %mul3A_145 = arith.muli %sub3A_143, %mul3A_144 : i32
        %dma_wait3A_146 = tpu.memref_slice %arg7[%mul3A_145] : memref<5120xi32, #tpu.memory_space<vmem>> -> memref<128xi32, #tpu.memory_space<vmem>>
        %dma_wait3A_147 = arith.constant 0 : i32
        %dma_wait3A_148 = arith.constant 0 : i32
        %dma_wait3A_149 = tpu.memref_slice %arg10[%dma_wait3A_147, %dma_wait3A_148] : memref<10000x128xf32, #tpu.memory_space<vmem_shared>> -> memref<10000x128xf32, #tpu.memory_space<vmem_shared>>
        tpu.wait_indirect_dma semaphore(%arg14 : memref<!tpu.dma_semaphore, #tpu.memory_space<semaphore_mem>>) src(%arg9 : memref<128x128xf32, #tpu.memory_space<vmem>>) dst(%dma_wait3A_149 : memref<10000x128xf32, #tpu.memory_space<vmem_shared>>)
      } else {
      }
      %add3A_102 = arith.constant 0 : i32
      %add3A_103 = arith.addi %add3A_102, %add3A_89 : i32
      %mul3A_104 = arith.constant 128 : i32
      %mul3A_105 = arith.muli %add3A_103, %mul3A_104 : i32
      %dma_start3A_106 = tpu.memref_slice %arg6[%mul3A_105] : memref<10000xi32, #tpu.memory_space<vmem>> -> memref<128xi32, #tpu.memory_space<vmem>>
      %dma_start3A_107 = arith.constant 0 : i32
      %dma_start3A_108 = arith.constant 0 : i32
      %dma_start3A_109 = tpu.memref_slice %arg4[%dma_start3A_107, %dma_start3A_108] : memref<40000x128xf32, #tpu.memory_space<hbm>> -> memref<40000x128xf32, #tpu.memory_space<hbm>>
      tpu.enqueue_indirect_dma source(%dma_start3A_109 : memref<40000x128xf32, #tpu.memory_space<hbm>>) target(%arg9 : memref<128x128xf32, #tpu.memory_space<vmem>>) offsets(%dma_start3A_106 : memref<128xi32, #tpu.memory_space<vmem>>) semaphore(%arg12 : memref<!tpu.dma_semaphore, #tpu.memory_space<semaphore_mem>>)
      %mul3A_110 = arith.constant 128 : i32
      %mul3A_111 = arith.muli %mul3A_87, %mul3A_110 : i32
      %dma_start3A_112 = tpu.memref_slice %arg7[%mul3A_111] : memref<5120xi32, #tpu.memory_space<vmem>> -> memref<128xi32, #tpu.memory_space<vmem>>
      %dma_start3A_113 = arith.constant 0 : i32
      %dma_start3A_114 = arith.constant 0 : i32
      %dma_start3A_115 = tpu.memref_slice %arg10[%dma_start3A_113, %dma_start3A_114] : memref<10000x128xf32, #tpu.memory_space<vmem_shared>> -> memref<10000x128xf32, #tpu.memory_space<vmem_shared>>
      tpu.enqueue_indirect_dma source(%arg8 : memref<128x128xf32, #tpu.memory_space<vmem>>) target(%dma_start3A_115 : memref<10000x128xf32, #tpu.memory_space<vmem_shared>>) offsets(%dma_start3A_112 : memref<128xi32, #tpu.memory_space<vmem>>) semaphore(%arg13 : memref<!tpu.dma_semaphore, #tpu.memory_space<semaphore_mem>>) {add = true}
      %add3A_116 = arith.constant 0 : i32
      %add3A_117 = arith.addi %add3A_116, %add3A_89 : i32
      %mul3A_118 = arith.constant 128 : i32
      %mul3A_119 = arith.muli %add3A_117, %mul3A_118 : i32
      %dma_wait3A_120 = tpu.memref_slice %arg6[%mul3A_119] : memref<10000xi32, #tpu.memory_space<vmem>> -> memref<128xi32, #tpu.memory_space<vmem>>
      %dma_wait3A_121 = arith.constant 0 : i32
      %dma_wait3A_122 = arith.constant 0 : i32
      %dma_wait3A_123 = tpu.memref_slice %arg4[%dma_wait3A_121, %dma_wait3A_122] : memref<40000x128xf32, #tpu.memory_space<hbm>> -> memref<40000x128xf32, #tpu.memory_space<hbm>>
      tpu.wait_indirect_dma semaphore(%arg12 : memref<!tpu.dma_semaphore, #tpu.memory_space<semaphore_mem>>) src(%dma_wait3A_123 : memref<40000x128xf32, #tpu.memory_space<hbm>>) dst(%arg9 : memref<128x128xf32, #tpu.memory_space<vmem>>)
      %mul3A_124 = arith.constant 128 : i32
      %mul3A_125 = arith.muli %mul3A_87, %mul3A_124 : i32
      %dma_wait3A_126 = tpu.memref_slice %arg7[%mul3A_125] : memref<5120xi32, #tpu.memory_space<vmem>> -> memref<128xi32, #tpu.memory_space<vmem>>
      %dma_wait3A_127 = arith.constant 0 : i32
      %dma_wait3A_128 = arith.constant 0 : i32
      %dma_wait3A_129 = tpu.memref_slice %arg10[%dma_wait3A_127, %dma_wait3A_128] : memref<10000x128xf32, #tpu.memory_space<vmem_shared>> -> memref<10000x128xf32, #tpu.memory_space<vmem_shared>>
      tpu.wait_indirect_dma semaphore(%arg13 : memref<!tpu.dma_semaphore, #tpu.memory_space<semaphore_mem>>) src(%arg8 : memref<128x128xf32, #tpu.memory_space<vmem>>) dst(%dma_wait3A_129 : memref<10000x128xf32, #tpu.memory_space<vmem_shared>>)
      %add3A_130 = arith.constant 2 : i32
      %add3A_131 = arith.addi %mul3A_87, %add3A_130 : i32
      %lt3A_132 = arith.constant 40 : i32
      %lt3A_133 = arith.cmpi slt, %add3A_131, %lt3A_132 : i32
      %convert_element_type3A_134 = arith.extui %lt3A_133 : i1 to i32
      %cond3A_135 = arith.constant 0 : i32
      %cond3A_136 = arith.cmpi ne, %convert_element_type3A_134, %cond3A_135 : i32
      scf.if %cond3A_136 {
        %add3A_143 = arith.constant 2 : i32
        %add3A_144 = arith.addi %mul3A_87, %add3A_143 : i32
        %add3A_145 = arith.constant 0 : i32
        %add3A_146 = arith.addi %add3A_145, %add3A_144 : i32
        %mul3A_147 = arith.constant 128 : i32
        %mul3A_148 = arith.muli %add3A_146, %mul3A_147 : i32
        %dma_start3A_149 = tpu.memref_slice %arg6[%mul3A_148] : memref<10000xi32, #tpu.memory_space<vmem>> -> memref<128xi32, #tpu.memory_space<vmem>>
        %dma_start3A_150 = arith.constant 0 : i32
        %dma_start3A_151 = arith.constant 0 : i32
        %dma_start3A_152 = tpu.memref_slice %arg4[%dma_start3A_150, %dma_start3A_151] : memref<40000x128xf32, #tpu.memory_space<hbm>> -> memref<40000x128xf32, #tpu.memory_space<hbm>>
        tpu.enqueue_indirect_dma source(%dma_start3A_152 : memref<40000x128xf32, #tpu.memory_space<hbm>>) target(%arg8 : memref<128x128xf32, #tpu.memory_space<vmem>>) offsets(%dma_start3A_149 : memref<128xi32, #tpu.memory_space<vmem>>) semaphore(%arg11 : memref<!tpu.dma_semaphore, #tpu.memory_space<semaphore_mem>>)
      } else {
      }
      %mul3A_137 = arith.constant 128 : i32
      %mul3A_138 = arith.muli %add3A_89, %mul3A_137 : i32
      %dma_start3A_139 = tpu.memref_slice %arg7[%mul3A_138] : memref<5120xi32, #tpu.memory_space<vmem>> -> memref<128xi32, #tpu.memory_space<vmem>>
      %dma_start3A_140 = arith.constant 0 : i32
      %dma_start3A_141 = arith.constant 0 : i32
      %dma_start3A_142 = tpu.memref_slice %arg10[%dma_start3A_140, %dma_start3A_141] : memref<10000x128xf32, #tpu.memory_space<vmem_shared>> -> memref<10000x128xf32, #tpu.memory_space<vmem_shared>>
      tpu.enqueue_indirect_dma source(%arg9 : memref<128x128xf32, #tpu.memory_space<vmem>>) target(%dma_start3A_142 : memref<10000x128xf32, #tpu.memory_space<vmem_shared>>) offsets(%dma_start3A_139 : memref<128xi32, #tpu.memory_space<vmem>>) semaphore(%arg14 : memref<!tpu.dma_semaphore, #tpu.memory_space<semaphore_mem>>) {add = true}
    }
    %scan3A_25 = arith.constant 20 : i32
    %dma_wait3A = arith.constant 4992 : i32
    %dma_wait3A_26 = tpu.memref_slice %arg7[%dma_wait3A] : memref<5120xi32, #tpu.memory_space<vmem>> -> memref<128xi32, #tpu.memory_space<vmem>>
    %dma_wait3A_27 = arith.constant 0 : i32
    %dma_wait3A_28 = arith.constant 0 : i32
    %dma_wait3A_29 = tpu.memref_slice %arg10[%dma_wait3A_27, %dma_wait3A_28] : memref<10000x128xf32, #tpu.memory_space<vmem_shared>> -> memref<10000x128xf32, #tpu.memory_space<vmem_shared>>
    tpu.wait_indirect_dma semaphore(%arg14 : memref<!tpu.dma_semaphore, #tpu.memory_space<semaphore_mem>>) src(%arg9 : memref<128x128xf32, #tpu.memory_space<vmem>>) dst(%dma_wait3A_29 : memref<10000x128xf32, #tpu.memory_space<vmem_shared>>)
    %add3A_30 = arith.constant 320000 : i32
    %add3A_31 = arith.addi %add3A_30, %mul3A_2 : i32
    %add3A_32 = arith.constant 5120 : i32
    %add3A_33 = arith.addi %add3A_31, %add3A_32 : i32
    "tpu.region"() ({
      %run_scoped3A = tpu.sem_alloc : memref<!tpu.dma_semaphore, #tpu.memory_space<semaphore_mem>>
      %dma_start3A_85 = arith.constant 0 : i32
      %dma_start3A_86 = tpu.memref_slice %arg7[%dma_start3A_85] : memref<5120xi32, #tpu.memory_space<vmem>> -> memref<4880xi32, #tpu.memory_space<vmem>>
      %dma_start3A_87 = tpu.memref_slice %arg3[%add3A_33] : memref<640000xi32, #tpu.memory_space<hbm>> -> memref<4880xi32, #tpu.memory_space<hbm>>
      %dma_start3A_88 = arith.constant 0 : i32
      %dma_start3A_89 = tpu.memref_slice %arg7[%dma_start3A_88] : memref<5120xi32, #tpu.memory_space<vmem>> -> memref<4880xi32, #tpu.memory_space<vmem>>
      %dma_start3A_90 = tpu.memref_slice %arg3[%add3A_33] : memref<640000xi32, #tpu.memory_space<hbm>> -> memref<4880xi32, #tpu.memory_space<hbm>>
      tpu.enqueue_dma source(%dma_start3A_90 : memref<4880xi32, #tpu.memory_space<hbm>>) target(%dma_start3A_89 : memref<4880xi32, #tpu.memory_space<vmem>>) target_semaphore(%run_scoped3A : memref<!tpu.dma_semaphore, #tpu.memory_space<semaphore_mem>>)
      %dma_wait3A_91 = arith.constant 0 : i32
      %dma_wait3A_92 = tpu.memref_slice %arg7[%dma_wait3A_91] : memref<5120xi32, #tpu.memory_space<vmem>> -> memref<4880xi32, #tpu.memory_space<vmem>>
      %dma_wait3A_93 = tpu.memref_slice %arg3[%add3A_33] : memref<640000xi32, #tpu.memory_space<hbm>> -> memref<4880xi32, #tpu.memory_space<hbm>>
      %dma_wait3A_94 = arith.constant 0 : i32
      %dma_wait3A_95 = tpu.memref_slice %arg7[%dma_wait3A_94] : memref<5120xi32, #tpu.memory_space<vmem>> -> memref<4880xi32, #tpu.memory_space<vmem>>
      %dma_wait3A_96 = tpu.memref_slice %arg3[%add3A_33] : memref<640000xi32, #tpu.memory_space<hbm>> -> memref<4880xi32, #tpu.memory_space<hbm>>
      tpu.wait_dma2 semaphore(%run_scoped3A : memref<!tpu.dma_semaphore, #tpu.memory_space<semaphore_mem>>) src(%dma_wait3A_96 : memref<4880xi32, #tpu.memory_space<hbm>>) dst(%dma_wait3A_95 : memref<4880xi32, #tpu.memory_space<vmem>>)
      tpu.yield
    }) : () -> ()
    %dma_start3A_34 = arith.constant 5120 : i32
    %dma_start3A_35 = tpu.memref_slice %arg6[%dma_start3A_34] : memref<10000xi32, #tpu.memory_space<vmem>> -> memref<128xi32, #tpu.memory_space<vmem>>
    %dma_start3A_36 = arith.constant 0 : i32
    %dma_start3A_37 = arith.constant 0 : i32
    %dma_start3A_38 = tpu.memref_slice %arg4[%dma_start3A_36, %dma_start3A_37] : memref<40000x128xf32, #tpu.memory_space<hbm>> -> memref<40000x128xf32, #tpu.memory_space<hbm>>
    tpu.enqueue_indirect_dma source(%dma_start3A_38 : memref<40000x128xf32, #tpu.memory_space<hbm>>) target(%arg8 : memref<128x128xf32, #tpu.memory_space<vmem>>) offsets(%dma_start3A_35 : memref<128xi32, #tpu.memory_space<vmem>>) semaphore(%arg11 : memref<!tpu.dma_semaphore, #tpu.memory_space<semaphore_mem>>)
    %scan3A_39 = arith.constant 0 : i32
    %scan3A_40 = arith.constant 0 : i32
    %scan3A_41 = arith.constant 19 : i32
    %scan3A_42 = arith.addi %scan3A_40, %scan3A_41 : i32
    %scan3A_43 = arith.constant 1 : i32
    scf.for %scan3A_85 = %scan3A_40 to %scan3A_42 step %scan3A_43  : i32 {
      %mul3A_86 = arith.constant 2 : i32
      %mul3A_87 = arith.muli %mul3A_86, %scan3A_85 : i32
      %add3A_88 = arith.constant 1 : i32
      %add3A_89 = arith.addi %mul3A_87, %add3A_88 : i32
      %add3A_90 = arith.constant 40 : i32
      %add3A_91 = arith.addi %add3A_90, %mul3A_87 : i32
      %mul3A_92 = arith.constant 128 : i32
      %mul3A_93 = arith.muli %add3A_91, %mul3A_92 : i32
      %dma_wait3A_94 = tpu.memref_slice %arg6[%mul3A_93] : memref<10000xi32, #tpu.memory_space<vmem>> -> memref<128xi32, #tpu.memory_space<vmem>>
      %dma_wait3A_95 = arith.constant 0 : i32
      %dma_wait3A_96 = arith.constant 0 : i32
      %dma_wait3A_97 = tpu.memref_slice %arg4[%dma_wait3A_95, %dma_wait3A_96] : memref<40000x128xf32, #tpu.memory_space<hbm>> -> memref<40000x128xf32, #tpu.memory_space<hbm>>
      tpu.wait_indirect_dma semaphore(%arg11 : memref<!tpu.dma_semaphore, #tpu.memory_space<semaphore_mem>>) src(%dma_wait3A_97 : memref<40000x128xf32, #tpu.memory_space<hbm>>) dst(%arg8 : memref<128x128xf32, #tpu.memory_space<vmem>>)
      %gt3A = arith.constant 0 : i32
      %gt3A_98 = arith.cmpi sgt, %scan3A_85, %gt3A : i32
      %convert_element_type3A_99 = arith.extui %gt3A_98 : i1 to i32
      %cond3A_100 = arith.constant 0 : i32
      %cond3A_101 = arith.cmpi ne, %convert_element_type3A_99, %cond3A_100 : i32
      scf.if %cond3A_101 {
        %sub3A = arith.constant 2 : i32
        %sub3A_143 = arith.subi %add3A_89, %sub3A : i32
        %mul3A_144 = arith.constant 128 : i32
        %mul3A_145 = arith.muli %sub3A_143, %mul3A_144 : i32
        %dma_wait3A_146 = tpu.memref_slice %arg7[%mul3A_145] : memref<5120xi32, #tpu.memory_space<vmem>> -> memref<128xi32, #tpu.memory_space<vmem>>
        %dma_wait3A_147 = arith.constant 0 : i32
        %dma_wait3A_148 = arith.constant 0 : i32
        %dma_wait3A_149 = tpu.memref_slice %arg10[%dma_wait3A_147, %dma_wait3A_148] : memref<10000x128xf32, #tpu.memory_space<vmem_shared>> -> memref<10000x128xf32, #tpu.memory_space<vmem_shared>>
        tpu.wait_indirect_dma semaphore(%arg14 : memref<!tpu.dma_semaphore, #tpu.memory_space<semaphore_mem>>) src(%arg9 : memref<128x128xf32, #tpu.memory_space<vmem>>) dst(%dma_wait3A_149 : memref<10000x128xf32, #tpu.memory_space<vmem_shared>>)
      } else {
      }
      %add3A_102 = arith.constant 40 : i32
      %add3A_103 = arith.addi %add3A_102, %add3A_89 : i32
      %mul3A_104 = arith.constant 128 : i32
      %mul3A_105 = arith.muli %add3A_103, %mul3A_104 : i32
      %dma_start3A_106 = tpu.memref_slice %arg6[%mul3A_105] : memref<10000xi32, #tpu.memory_space<vmem>> -> memref<128xi32, #tpu.memory_space<vmem>>
      %dma_start3A_107 = arith.constant 0 : i32
      %dma_start3A_108 = arith.constant 0 : i32
      %dma_start3A_109 = tpu.memref_slice %arg4[%dma_start3A_107, %dma_start3A_108] : memref<40000x128xf32, #tpu.memory_space<hbm>> -> memref<40000x128xf32, #tpu.memory_space<hbm>>
      tpu.enqueue_indirect_dma source(%dma_start3A_109 : memref<40000x128xf32, #tpu.memory_space<hbm>>) target(%arg9 : memref<128x128xf32, #tpu.memory_space<vmem>>) offsets(%dma_start3A_106 : memref<128xi32, #tpu.memory_space<vmem>>) semaphore(%arg12 : memref<!tpu.dma_semaphore, #tpu.memory_space<semaphore_mem>>)
      %mul3A_110 = arith.constant 128 : i32
      %mul3A_111 = arith.muli %mul3A_87, %mul3A_110 : i32
      %dma_start3A_112 = tpu.memref_slice %arg7[%mul3A_111] : memref<5120xi32, #tpu.memory_space<vmem>> -> memref<128xi32, #tpu.memory_space<vmem>>
      %dma_start3A_113 = arith.constant 0 : i32
      %dma_start3A_114 = arith.constant 0 : i32
      %dma_start3A_115 = tpu.memref_slice %arg10[%dma_start3A_113, %dma_start3A_114] : memref<10000x128xf32, #tpu.memory_space<vmem_shared>> -> memref<10000x128xf32, #tpu.memory_space<vmem_shared>>
      tpu.enqueue_indirect_dma source(%arg8 : memref<128x128xf32, #tpu.memory_space<vmem>>) target(%dma_start3A_115 : memref<10000x128xf32, #tpu.memory_space<vmem_shared>>) offsets(%dma_start3A_112 : memref<128xi32, #tpu.memory_space<vmem>>) semaphore(%arg13 : memref<!tpu.dma_semaphore, #tpu.memory_space<semaphore_mem>>) {add = true}
      %add3A_116 = arith.constant 40 : i32
      %add3A_117 = arith.addi %add3A_116, %add3A_89 : i32
      %mul3A_118 = arith.constant 128 : i32
      %mul3A_119 = arith.muli %add3A_117, %mul3A_118 : i32
      %dma_wait3A_120 = tpu.memref_slice %arg6[%mul3A_119] : memref<10000xi32, #tpu.memory_space<vmem>> -> memref<128xi32, #tpu.memory_space<vmem>>
      %dma_wait3A_121 = arith.constant 0 : i32
      %dma_wait3A_122 = arith.constant 0 : i32
      %dma_wait3A_123 = tpu.memref_slice %arg4[%dma_wait3A_121, %dma_wait3A_122] : memref<40000x128xf32, #tpu.memory_space<hbm>> -> memref<40000x128xf32, #tpu.memory_space<hbm>>
      tpu.wait_indirect_dma semaphore(%arg12 : memref<!tpu.dma_semaphore, #tpu.memory_space<semaphore_mem>>) src(%dma_wait3A_123 : memref<40000x128xf32, #tpu.memory_space<hbm>>) dst(%arg9 : memref<128x128xf32, #tpu.memory_space<vmem>>)
      %mul3A_124 = arith.constant 128 : i32
      %mul3A_125 = arith.muli %mul3A_87, %mul3A_124 : i32
      %dma_wait3A_126 = tpu.memref_slice %arg7[%mul3A_125] : memref<5120xi32, #tpu.memory_space<vmem>> -> memref<128xi32, #tpu.memory_space<vmem>>
      %dma_wait3A_127 = arith.constant 0 : i32
      %dma_wait3A_128 = arith.constant 0 : i32
      %dma_wait3A_129 = tpu.memref_slice %arg10[%dma_wait3A_127, %dma_wait3A_128] : memref<10000x128xf32, #tpu.memory_space<vmem_shared>> -> memref<10000x128xf32, #tpu.memory_space<vmem_shared>>
      tpu.wait_indirect_dma semaphore(%arg13 : memref<!tpu.dma_semaphore, #tpu.memory_space<semaphore_mem>>) src(%arg8 : memref<128x128xf32, #tpu.memory_space<vmem>>) dst(%dma_wait3A_129 : memref<10000x128xf32, #tpu.memory_space<vmem_shared>>)
      %add3A_130 = arith.constant 2 : i32
      %add3A_131 = arith.addi %mul3A_87, %add3A_130 : i32
      %lt3A_132 = arith.constant 38 : i32
      %lt3A_133 = arith.cmpi slt, %add3A_131, %lt3A_132 : i32
      %convert_element_type3A_134 = arith.extui %lt3A_133 : i1 to i32
      %cond3A_135 = arith.constant 0 : i32
      %cond3A_136 = arith.cmpi ne, %convert_element_type3A_134, %cond3A_135 : i32
      scf.if %cond3A_136 {
        %add3A_143 = arith.constant 2 : i32
        %add3A_144 = arith.addi %mul3A_87, %add3A_143 : i32
        %add3A_145 = arith.constant 40 : i32
        %add3A_146 = arith.addi %add3A_145, %add3A_144 : i32
        %mul3A_147 = arith.constant 128 : i32
        %mul3A_148 = arith.muli %add3A_146, %mul3A_147 : i32
        %dma_start3A_149 = tpu.memref_slice %arg6[%mul3A_148] : memref<10000xi32, #tpu.memory_space<vmem>> -> memref<128xi32, #tpu.memory_space<vmem>>
        %dma_start3A_150 = arith.constant 0 : i32
        %dma_start3A_151 = arith.constant 0 : i32
        %dma_start3A_152 = tpu.memref_slice %arg4[%dma_start3A_150, %dma_start3A_151] : memref<40000x128xf32, #tpu.memory_space<hbm>> -> memref<40000x128xf32, #tpu.memory_space<hbm>>
        tpu.enqueue_indirect_dma source(%dma_start3A_152 : memref<40000x128xf32, #tpu.memory_space<hbm>>) target(%arg8 : memref<128x128xf32, #tpu.memory_space<vmem>>) offsets(%dma_start3A_149 : memref<128xi32, #tpu.memory_space<vmem>>) semaphore(%arg11 : memref<!tpu.dma_semaphore, #tpu.memory_space<semaphore_mem>>)
      } else {
      }
      %mul3A_137 = arith.constant 128 : i32
      %mul3A_138 = arith.muli %add3A_89, %mul3A_137 : i32
      %dma_start3A_139 = tpu.memref_slice %arg7[%mul3A_138] : memref<5120xi32, #tpu.memory_space<vmem>> -> memref<128xi32, #tpu.memory_space<vmem>>
      %dma_start3A_140 = arith.constant 0 : i32
      %dma_start3A_141 = arith.constant 0 : i32
      %dma_start3A_142 = tpu.memref_slice %arg10[%dma_start3A_140, %dma_start3A_141] : memref<10000x128xf32, #tpu.memory_space<vmem_shared>> -> memref<10000x128xf32, #tpu.memory_space<vmem_shared>>
      tpu.enqueue_indirect_dma source(%arg9 : memref<128x128xf32, #tpu.memory_space<vmem>>) target(%dma_start3A_142 : memref<10000x128xf32, #tpu.memory_space<vmem_shared>>) offsets(%dma_start3A_139 : memref<128xi32, #tpu.memory_space<vmem>>) semaphore(%arg14 : memref<!tpu.dma_semaphore, #tpu.memory_space<semaphore_mem>>) {add = true}
    }
    %scan3A_44 = arith.constant 19 : i32
    %dma_wait3A_45 = arith.constant 4736 : i32
    %dma_wait3A_46 = tpu.memref_slice %arg7[%dma_wait3A_45] : memref<5120xi32, #tpu.memory_space<vmem>> -> memref<128xi32, #tpu.memory_space<vmem>>
    %dma_wait3A_47 = arith.constant 0 : i32
    %dma_wait3A_48 = arith.constant 0 : i32
    %dma_wait3A_49 = tpu.memref_slice %arg10[%dma_wait3A_47, %dma_wait3A_48] : memref<10000x128xf32, #tpu.memory_space<vmem_shared>> -> memref<10000x128xf32, #tpu.memory_space<vmem_shared>>
    tpu.wait_indirect_dma semaphore(%arg14 : memref<!tpu.dma_semaphore, #tpu.memory_space<semaphore_mem>>) src(%arg9 : memref<128x128xf32, #tpu.memory_space<vmem>>) dst(%dma_wait3A_49 : memref<10000x128xf32, #tpu.memory_space<vmem_shared>>)
    %dma_start3A_50 = arith.constant 0 : i32
    %dma_start3A_51 = arith.constant 0 : i32
    %dma_start3A_52 = tpu.memref_slice %arg8[%dma_start3A_50, %dma_start3A_51] : memref<128x128xf32, #tpu.memory_space<vmem>> -> memref<16x128xf32, #tpu.memory_space<vmem>>
    %dma_start3A_53 = arith.constant 9984 : i32
    %dma_start3A_54 = tpu.memref_slice %arg6[%dma_start3A_53] : memref<10000xi32, #tpu.memory_space<vmem>> -> memref<16xi32, #tpu.memory_space<vmem>>
    %dma_start3A_55 = arith.constant 0 : i32
    %dma_start3A_56 = arith.constant 0 : i32
    %dma_start3A_57 = tpu.memref_slice %arg4[%dma_start3A_55, %dma_start3A_56] : memref<40000x128xf32, #tpu.memory_space<hbm>> -> memref<40000x128xf32, #tpu.memory_space<hbm>>
    tpu.enqueue_indirect_dma source(%dma_start3A_57 : memref<40000x128xf32, #tpu.memory_space<hbm>>) target(%dma_start3A_52 : memref<16x128xf32, #tpu.memory_space<vmem>>) offsets(%dma_start3A_54 : memref<16xi32, #tpu.memory_space<vmem>>) semaphore(%arg11 : memref<!tpu.dma_semaphore, #tpu.memory_space<semaphore_mem>>)
    %dma_wait3A_58 = arith.constant 0 : i32
    %dma_wait3A_59 = arith.constant 0 : i32
    %dma_wait3A_60 = tpu.memref_slice %arg8[%dma_wait3A_58, %dma_wait3A_59] : memref<128x128xf32, #tpu.memory_space<vmem>> -> memref<16x128xf32, #tpu.memory_space<vmem>>
    %dma_wait3A_61 = arith.constant 9984 : i32
    %dma_wait3A_62 = tpu.memref_slice %arg6[%dma_wait3A_61] : memref<10000xi32, #tpu.memory_space<vmem>> -> memref<16xi32, #tpu.memory_space<vmem>>
    %dma_wait3A_63 = arith.constant 0 : i32
    %dma_wait3A_64 = arith.constant 0 : i32
    %dma_wait3A_65 = tpu.memref_slice %arg4[%dma_wait3A_63, %dma_wait3A_64] : memref<40000x128xf32, #tpu.memory_space<hbm>> -> memref<40000x128xf32, #tpu.memory_space<hbm>>
    tpu.wait_indirect_dma semaphore(%arg11 : memref<!tpu.dma_semaphore, #tpu.memory_space<semaphore_mem>>) src(%dma_wait3A_65 : memref<40000x128xf32, #tpu.memory_space<hbm>>) dst(%dma_wait3A_60 : memref<16x128xf32, #tpu.memory_space<vmem>>)
    %dma_start3A_66 = arith.constant 0 : i32
    %dma_start3A_67 = arith.constant 0 : i32
    %dma_start3A_68 = tpu.memref_slice %arg8[%dma_start3A_66, %dma_start3A_67] : memref<128x128xf32, #tpu.memory_space<vmem>> -> memref<16x128xf32, #tpu.memory_space<vmem>>
    %dma_start3A_69 = arith.constant 4864 : i32
    %dma_start3A_70 = tpu.memref_slice %arg7[%dma_start3A_69] : memref<5120xi32, #tpu.memory_space<vmem>> -> memref<16xi32, #tpu.memory_space<vmem>>
    %dma_start3A_71 = arith.constant 0 : i32
    %dma_start3A_72 = arith.constant 0 : i32
    %dma_start3A_73 = tpu.memref_slice %arg10[%dma_start3A_71, %dma_start3A_72] : memref<10000x128xf32, #tpu.memory_space<vmem_shared>> -> memref<10000x128xf32, #tpu.memory_space<vmem_shared>>
    tpu.enqueue_indirect_dma source(%dma_start3A_68 : memref<16x128xf32, #tpu.memory_space<vmem>>) target(%dma_start3A_73 : memref<10000x128xf32, #tpu.memory_space<vmem_shared>>) offsets(%dma_start3A_70 : memref<16xi32, #tpu.memory_space<vmem>>) semaphore(%arg13 : memref<!tpu.dma_semaphore, #tpu.memory_space<semaphore_mem>>) {add = true}
    %dma_wait3A_74 = arith.constant 0 : i32
    %dma_wait3A_75 = arith.constant 0 : i32
    %dma_wait3A_76 = tpu.memref_slice %arg8[%dma_wait3A_74, %dma_wait3A_75] : memref<128x128xf32, #tpu.memory_space<vmem>> -> memref<16x128xf32, #tpu.memory_space<vmem>>
    %dma_wait3A_77 = arith.constant 4864 : i32
    %dma_wait3A_78 = tpu.memref_slice %arg7[%dma_wait3A_77] : memref<5120xi32, #tpu.memory_space<vmem>> -> memref<16xi32, #tpu.memory_space<vmem>>
    %dma_wait3A_79 = arith.constant 0 : i32
    %dma_wait3A_80 = arith.constant 0 : i32
    %dma_wait3A_81 = tpu.memref_slice %arg10[%dma_wait3A_79, %dma_wait3A_80] : memref<10000x128xf32, #tpu.memory_space<vmem_shared>> -> memref<10000x128xf32, #tpu.memory_space<vmem_shared>>
    tpu.wait_indirect_dma semaphore(%arg13 : memref<!tpu.dma_semaphore, #tpu.memory_space<semaphore_mem>>) src(%dma_wait3A_76 : memref<16x128xf32, #tpu.memory_space<vmem>>) dst(%dma_wait3A_81 : memref<10000x128xf32, #tpu.memory_space<vmem_shared>>)
    %barrier3A_82 = arith.constant 0 : index
    tpu.barrier barrier_id(%barrier3A_82)
    %lt3A = arith.constant 5 : i32
    %lt3A_83 = arith.cmpi slt, %arg1, %lt3A : i32
    %convert_element_type3A = arith.extui %lt3A_83 : i1 to i32
    %cond3A = arith.constant 0 : i32
    %cond3A_84 = arith.cmpi ne, %convert_element_type3A, %cond3A : i32
    scf.if %cond3A_84 {
      %mul3A_85 = arith.constant 2000 : i32
      %mul3A_86 = arith.muli %arg1, %mul3A_85 : i32
      "tpu.region"() ({
        %run_scoped3A = tpu.sem_alloc : memref<!tpu.dma_semaphore, #tpu.memory_space<semaphore_mem>>
        %dma_start3A_87 = arith.constant 0 : i32
        %dma_start3A_88 = arith.constant 0 : i32
        %dma_start3A_89 = tpu.memref_slice %arg5[%arg0, %dma_start3A_87, %dma_start3A_88] : memref<2x10000x128xf32, #tpu.memory_space<hbm>> -> memref<1x10000x128xf32, #tpu.memory_space<hbm>>
        %dma_start3A_90 = tpu.memref_squeeze %dma_start3A_89 : memref<1x10000x128xf32, #tpu.memory_space<hbm>> -> memref<10000x128xf32, #tpu.memory_space<hbm>>
        %dma_start3A_91 = arith.constant 0 : i32
        %dma_start3A_92 = tpu.memref_slice %dma_start3A_90[%mul3A_86, %dma_start3A_91] : memref<10000x128xf32, #tpu.memory_space<hbm>> -> memref<2000x128xf32, #tpu.memory_space<hbm>>
        %dma_start3A_93 = arith.constant 0 : i32
        %dma_start3A_94 = tpu.memref_slice %arg10[%mul3A_86, %dma_start3A_93] : memref<10000x128xf32, #tpu.memory_space<vmem_shared>> -> memref<2000x128xf32, #tpu.memory_space<vmem_shared>>
        tpu.enqueue_dma source(%dma_start3A_94 : memref<2000x128xf32, #tpu.memory_space<vmem_shared>>) target(%dma_start3A_92 : memref<2000x128xf32, #tpu.memory_space<hbm>>) target_semaphore(%run_scoped3A : memref<!tpu.dma_semaphore, #tpu.memory_space<semaphore_mem>>)
        %dma_wait3A_95 = arith.constant 0 : i32
        %dma_wait3A_96 = arith.constant 0 : i32
        %dma_wait3A_97 = tpu.memref_slice %arg5[%arg0, %dma_wait3A_95, %dma_wait3A_96] : memref<2x10000x128xf32, #tpu.memory_space<hbm>> -> memref<1x10000x128xf32, #tpu.memory_space<hbm>>
        %dma_wait3A_98 = tpu.memref_squeeze %dma_wait3A_97 : memref<1x10000x128xf32, #tpu.memory_space<hbm>> -> memref<10000x128xf32, #tpu.memory_space<hbm>>
        %dma_wait3A_99 = arith.constant 0 : i32
        %dma_wait3A_100 = tpu.memref_slice %dma_wait3A_98[%mul3A_86, %dma_wait3A_99] : memref<10000x128xf32, #tpu.memory_space<hbm>> -> memref<2000x128xf32, #tpu.memory_space<hbm>>
        %dma_wait3A_101 = arith.constant 0 : i32
        %dma_wait3A_102 = tpu.memref_slice %arg10[%mul3A_86, %dma_wait3A_101] : memref<10000x128xf32, #tpu.memory_space<vmem_shared>> -> memref<2000x128xf32, #tpu.memory_space<vmem_shared>>
        tpu.wait_dma2 semaphore(%run_scoped3A : memref<!tpu.dma_semaphore, #tpu.memory_space<semaphore_mem>>) src(%dma_wait3A_102 : memref<2000x128xf32, #tpu.memory_space<vmem_shared>>) dst(%dma_wait3A_100 : memref<2000x128xf32, #tpu.memory_space<hbm>>)
        tpu.yield
      }) : () -> ()
    } else {
    }
    return
  }
}

module attributes {stable_mosaic.version = 14 : i64} {
  func.func @_msgs_body(%arg0: i32, %arg1: i32, %arg2: memref<1000x128xf32, #tpu.memory_space<vmem>>, %arg3: memref<1x128x128xf32, #tpu.memory_space<vmem>>, %arg4: memref<4x128xf32, #tpu.memory_space<vmem>>, %arg5: memref<2x2500x128xi32, #tpu.memory_space<vmem>>, %arg6: memref<2500x128xi32, #tpu.memory_space<vmem>>, %arg7: memref<1x1000x128xf32, #tpu.memory_space<vmem>>, %arg8: memref<2500x128xi32, #tpu.memory_space<vmem>>) attributes {dimension_semantics = [#tpu.dimension_semantics<arbitrary>, #tpu.dimension_semantics<arbitrary>], iteration_bounds = array<i64: 10, 4>, scalar_prefetch = 0 : i64, scratch_operands = 0 : i64, tpu.core_type = #tpu.core_type<tc>, window_params = [{transform_indices = @transform_0, window_bounds = array<i64: 1000, 128>}, {transform_indices = @transform_1, window_bounds = array<i64: 1, 128, 128>}, {pipeline_mode = #tpu.pipeline_mode<synchronous>, transform_indices = @transform_2, window_bounds = array<i64: 4, 128>}, {pipeline_mode = #tpu.pipeline_mode<synchronous>, transform_indices = @transform_3, window_bounds = array<i64: 2, 2500, 128>}, {pipeline_mode = #tpu.pipeline_mode<synchronous>, transform_indices = @transform_4, window_bounds = array<i64: 2500, 128>}, {transform_indices = @transform_5, window_bounds = array<i64: 1, 1000, 128>}, {pipeline_mode = #tpu.pipeline_mode<synchronous>, transform_indices = @transform_6, window_bounds = array<i64: 2500, 128>}]} {
    %get3A = arith.constant 0 : index
    %get3A_0 = arith.constant 0 : index
    %get3A_1 = arith.constant 0 : index
    %get3A_2 = vector.load %arg3[%get3A, %get3A_0, %get3A_1] : memref<1x128x128xf32, #tpu.memory_space<vmem>>, vector<1x128x128xf32>
    %get3A_3 = vector.shape_cast %get3A_2 : vector<1x128x128xf32> to vector<128x128xf32>
    %get3A_4 = arith.index_cast %arg1 : i32 to index
    %get3A_5 = arith.constant 0 : index
    %get3A_6 = vector.load %arg4[%get3A_4, %get3A_5] : memref<4x128xf32, #tpu.memory_space<vmem>>, vector<1x128xf32>
    %get3A_7 = arith.constant 0 : index
    %get3A_8 = arith.constant 0 : index
    %get3A_9 = vector.load %arg2[%get3A_7, %get3A_8] : memref<1000x128xf32, #tpu.memory_space<vmem>>, vector<1000x128xf32>
    %dot_general3A = arith.constant dense<0.000000e+00> : vector<1000x128xf32>
    %dot_general3A_10 = tpu.matmul %get3A_9, %get3A_3, %dot_general3A {dimension_numbers = #tpu.dot_dimension_numbers<[1], [1], [0], [0], [0, 0, 1, 0], [], []>, transpose_lhs_hint = false} : vector<1000x128xf32>, vector<128x128xf32>, vector<1000x128xf32> -> vector<1000x128xf32>
    %add3A = vector.broadcast %get3A_6 : vector<1x128xf32> to vector<1000x128xf32>
    %add3A_11 = arith.addf %dot_general3A_10, %add3A : vector<1000x128xf32>
    %swap3A = arith.constant 0 : index
    %swap3A_12 = arith.constant 0 : index
    %swap3A_13 = arith.constant 0 : index
    %swap3A_14 = vector.load %arg7[%swap3A, %swap3A_12, %swap3A_13] : memref<1x1000x128xf32, #tpu.memory_space<vmem>>, vector<1x1000x128xf32>
    %swap3A_15 = vector.shape_cast %swap3A_14 : vector<1x1000x128xf32> to vector<1000x128xf32>
    %swap3A_16 = vector.shape_cast %add3A_11 : vector<1000x128xf32> to vector<1x1000x128xf32>
    tpu.vector_store %arg7[%swap3A, %swap3A_12, %swap3A_13], %swap3A_16 {strides = array<i32>} : memref<1x1000x128xf32, #tpu.memory_space<vmem>>, vector<1x1000x128xf32>,
    %eq3A = arith.constant 0 : i32
    %eq3A_17 = arith.cmpi eq, %arg1, %eq3A : i32
    %eq3A_18 = arith.constant 0 : i32
    %eq3A_19 = arith.cmpi eq, %arg0, %eq3A_18 : i32
    %and3A = arith.andi %eq3A_17, %eq3A_19 : i1
    %convert_element_type3A = arith.extui %and3A : i1 to i32
    %cond3A = arith.constant 0 : i32
    %cond3A_20 = arith.cmpi ne, %convert_element_type3A, %cond3A : i32
    scf.if %cond3A_20 {
      %get3A_21 = arith.constant 0 : index
      %get3A_22 = arith.constant 0 : index
      %get3A_23 = vector.load %arg6[%get3A_21, %get3A_22] : memref<2500x128xi32, #tpu.memory_space<vmem>>, vector<2500x128xi32>
      %mul3A = arith.constant 10000 : i32
      %mul3A_24 = vector.broadcast %mul3A : i32 to vector<2500x128xi32>
      %mul3A_25 = arith.muli %get3A_23, %mul3A_24 : vector<2500x128xi32>
      %get3A_26 = arith.constant 0 : index
      %get3A_27 = arith.constant 0 : index
      %get3A_28 = arith.constant 0 : index
      %get3A_29 = vector.load %arg5[%get3A_26, %get3A_27, %get3A_28] : memref<2x2500x128xi32, #tpu.memory_space<vmem>>, vector<1x2500x128xi32>
      %get3A_30 = vector.shape_cast %get3A_29 : vector<1x2500x128xi32> to vector<2500x128xi32>
      %add3A_31 = arith.addi %mul3A_25, %get3A_30 : vector<2500x128xi32>
      %swap3A_32 = arith.constant 0 : index
      %swap3A_33 = arith.constant 0 : index
      %swap3A_34 = vector.load %arg8[%swap3A_32, %swap3A_33] : memref<2500x128xi32, #tpu.memory_space<vmem>>, vector<2500x128xi32>
      tpu.vector_store %arg8[%swap3A_32, %swap3A_33], %add3A_31 {strides = array<i32>} : memref<2500x128xi32, #tpu.memory_space<vmem>>, vector<2500x128xi32>,
    } else {
    }
    return
  }
  func.func @transform_0(%arg0: i32, %arg1: i32) -> (i32, i32) {
    %c0_i32 = arith.constant 0 : i32
    %c0_i32_0 = arith.constant 0 : i32
    return %arg0, %c0_i32 : i32, i32
  }
  func.func @transform_1(%arg0: i32, %arg1: i32) -> (i32, i32, i32) {
    %c0_i32 = arith.constant 0 : i32
    %c0_i32_0 = arith.constant 0 : i32
    %c0_i32_1 = arith.constant 0 : i32
    return %arg1, %c0_i32, %c0_i32_0 : i32, i32, i32
  }
  func.func @transform_2(%arg0: i32, %arg1: i32) -> (i32, i32) {
    %c0_i32 = arith.constant 0 : i32
    %c0_i32_0 = arith.constant 0 : i32
    %c0_i32_1 = arith.constant 0 : i32
    return %c0_i32, %c0_i32_0 : i32, i32
  }
  func.func @transform_3(%arg0: i32, %arg1: i32) -> (i32, i32, i32) {
    %c0_i32 = arith.constant 0 : i32
    %c0_i32_0 = arith.constant 0 : i32
    %c0_i32_1 = arith.constant 0 : i32
    %c0_i32_2 = arith.constant 0 : i32
    return %c0_i32, %c0_i32_0, %c0_i32_1 : i32, i32, i32
  }
  func.func @transform_4(%arg0: i32, %arg1: i32) -> (i32, i32) {
    %c0_i32 = arith.constant 0 : i32
    %c0_i32_0 = arith.constant 0 : i32
    %c0_i32_1 = arith.constant 0 : i32
    return %c0_i32, %c0_i32_0 : i32, i32
  }
  func.func @transform_5(%arg0: i32, %arg1: i32) -> (i32, i32, i32) {
    %c0_i32 = arith.constant 0 : i32
    %c0_i32_0 = arith.constant 0 : i32
    return %arg1, %arg0, %c0_i32 : i32, i32, i32
  }
  func.func @transform_6(%arg0: i32, %arg1: i32) -> (i32, i32) {
    %c0_i32 = arith.constant 0 : i32
    %c0_i32_0 = arith.constant 0 : i32
    %c0_i32_1 = arith.constant 0 : i32
    return %c0_i32, %c0_i32_0 : i32, i32
  }
}

module attributes {stable_mosaic.version = 14 : i64} {
  func.func @_update_body(%arg0: i32, %arg1: memref<2x1000x128xf32, #tpu.memory_space<vmem>>, %arg2: memref<1000x128xf32, #tpu.memory_space<vmem>>, %arg3: memref<1x1x1000xi32, #tpu.memory_space<vmem>>, %arg4: memref<384x128xf32, #tpu.memory_space<vmem>>, %arg5: memref<384x128xf32, #tpu.memory_space<vmem>>, %arg6: memref<1x384xf32, #tpu.memory_space<vmem>>, %arg7: memref<1x384xf32, #tpu.memory_space<vmem>>, %arg8: memref<128x256xf32, #tpu.memory_space<vmem>>, %arg9: memref<128x256xf32, #tpu.memory_space<vmem>>, %arg10: memref<1x128xf32, #tpu.memory_space<vmem>>, %arg11: memref<1000x128xf32, #tpu.memory_space<vmem>>, %arg12: memref<64x128xf32, #tpu.memory_space<vmem>>) attributes {dimension_semantics = [#tpu.dimension_semantics<arbitrary>], iteration_bounds = array<i64: 10>, scalar_prefetch = 0 : i64, scratch_operands = 0 : i64, tpu.core_type = #tpu.core_type<tc>, window_params = [{transform_indices = @transform_0, window_bounds = array<i64: 2, 1000, 128>}, {transform_indices = @transform_1, window_bounds = array<i64: 1000, 128>}, {transform_indices = @transform_2, window_bounds = array<i64: 1, 1, 1000>}, {pipeline_mode = #tpu.pipeline_mode<synchronous>, transform_indices = @transform_3, window_bounds = array<i64: 384, 128>}, {pipeline_mode = #tpu.pipeline_mode<synchronous>, transform_indices = @transform_4, window_bounds = array<i64: 384, 128>}, {pipeline_mode = #tpu.pipeline_mode<synchronous>, transform_indices = @transform_5, window_bounds = array<i64: 1, 384>}, {pipeline_mode = #tpu.pipeline_mode<synchronous>, transform_indices = @transform_6, window_bounds = array<i64: 1, 384>}, {pipeline_mode = #tpu.pipeline_mode<synchronous>, transform_indices = @transform_7, window_bounds = array<i64: 128, 256>}, {pipeline_mode = #tpu.pipeline_mode<synchronous>, transform_indices = @transform_8, window_bounds = array<i64: 128, 256>}, {pipeline_mode = #tpu.pipeline_mode<synchronous>, transform_indices = @transform_9, window_bounds = array<i64: 1, 128>}, {transform_indices = @transform_10, window_bounds = array<i64: 1000, 128>}, {pipeline_mode = #tpu.pipeline_mode<synchronous>, transform_indices = @transform_11, window_bounds = array<i64: 64, 128>}]} {
    %get3A = arith.constant 0 : index
    %get3A_0 = arith.constant 0 : index
    %get3A_1 = arith.constant 0 : index
    %get3A_2 = vector.load %arg1[%get3A, %get3A_0, %get3A_1] : memref<2x1000x128xf32, #tpu.memory_space<vmem>>, vector<1x1000x128xf32>
    %get3A_3 = vector.shape_cast %get3A_2 : vector<1x1000x128xf32> to vector<1000x128xf32>
    %get3A_4 = arith.constant 1 : index
    %get3A_5 = arith.constant 0 : index
    %get3A_6 = arith.constant 0 : index
    %get3A_7 = vector.load %arg1[%get3A_4, %get3A_5, %get3A_6] : memref<2x1000x128xf32, #tpu.memory_space<vmem>>, vector<1x1000x128xf32>
    %get3A_8 = vector.shape_cast %get3A_7 : vector<1x1000x128xf32> to vector<1000x128xf32>
    %add3A = arith.addf %get3A_3, %get3A_8 : vector<1000x128xf32>
    %get3A_9 = arith.constant 0 : index
    %get3A_10 = arith.constant 0 : index
    %get3A_11 = vector.load %arg2[%get3A_9, %get3A_10] : memref<1000x128xf32, #tpu.memory_space<vmem>>, vector<1000x128xf32>
    %get3A_12 = arith.constant 0 : index
    %get3A_13 = arith.constant 0 : index
    %get3A_14 = vector.load %arg4[%get3A_12, %get3A_13] : memref<384x128xf32, #tpu.memory_space<vmem>>, vector<384x128xf32>
    %dot_general3A = arith.constant dense<0.000000e+00> : vector<1000x384xf32>
    %dot_general3A_15 = tpu.matmul %add3A, %get3A_14, %dot_general3A {dimension_numbers = #tpu.dot_dimension_numbers<[1], [1], [0], [0], [0, 0, 1, 0], [], []>, transpose_lhs_hint = false} : vector<1000x128xf32>, vector<384x128xf32>, vector<1000x384xf32> -> vector<1000x384xf32>
    %get3A_16 = arith.constant 0 : index
    %get3A_17 = arith.constant 0 : index
    %get3A_18 = vector.load %arg6[%get3A_16, %get3A_17] : memref<1x384xf32, #tpu.memory_space<vmem>>, vector<1x384xf32>
    %get3A_19 = vector.shape_cast %get3A_18 : vector<1x384xf32> to vector<384xf32>
    %broadcast_in_dim3A = vector.shape_cast %get3A_19 : vector<384xf32> to vector<1x384xf32>
    %add3A_20 = vector.broadcast %broadcast_in_dim3A : vector<1x384xf32> to vector<1000x384xf32>
    %add3A_21 = arith.addf %dot_general3A_15, %add3A_20 : vector<1000x384xf32>
    %get3A_22 = arith.constant 0 : index
    %get3A_23 = arith.constant 0 : index
    %get3A_24 = vector.load %arg5[%get3A_22, %get3A_23] : memref<384x128xf32, #tpu.memory_space<vmem>>, vector<384x128xf32>
    %dot_general3A_25 = arith.constant dense<0.000000e+00> : vector<1000x384xf32>
    %dot_general3A_26 = tpu.matmul %get3A_11, %get3A_24, %dot_general3A_25 {dimension_numbers = #tpu.dot_dimension_numbers<[1], [1], [0], [0], [0, 0, 1, 0], [], []>, transpose_lhs_hint = false} : vector<1000x128xf32>, vector<384x128xf32>, vector<1000x384xf32> -> vector<1000x384xf32>
    %get3A_27 = arith.constant 0 : index
    %get3A_28 = arith.constant 0 : index
    %get3A_29 = vector.load %arg7[%get3A_27, %get3A_28] : memref<1x384xf32, #tpu.memory_space<vmem>>, vector<1x384xf32>
    %get3A_30 = vector.shape_cast %get3A_29 : vector<1x384xf32> to vector<384xf32>
    %broadcast_in_dim3A_31 = vector.shape_cast %get3A_30 : vector<384xf32> to vector<1x384xf32>
    %add3A_32 = vector.broadcast %broadcast_in_dim3A_31 : vector<1x384xf32> to vector<1000x384xf32>
    %add3A_33 = arith.addf %dot_general3A_26, %add3A_32 : vector<1000x384xf32>
    %slice3A = vector.extract_strided_slice %add3A_21 {offsets = [0, 0], sizes = [1000, 128], strides = [1, 1]} : vector<1000x384xf32> to vector<1000x128xf32>
    %slice3A_34 = vector.extract_strided_slice %add3A_33 {offsets = [0, 0], sizes = [1000, 128], strides = [1, 1]} : vector<1000x384xf32> to vector<1000x128xf32>
    %add3A_35 = arith.addf %slice3A, %slice3A_34 : vector<1000x128xf32>
    %logistic3A = arith.negf %add3A_35 : vector<1000x128xf32>
    %logistic3A_36 = math.exp %logistic3A : vector<1000x128xf32>
    %logistic3A_37 = arith.constant 1.000000e+00 : f32
    %logistic3A_38 = vector.broadcast %logistic3A_37 : f32 to vector<1000x128xf32>
    %logistic3A_39 = arith.addf %logistic3A_38, %logistic3A_36 : vector<1000x128xf32>
    %logistic3A_40 = arith.divf %logistic3A_38, %logistic3A_39 : vector<1000x128xf32>
    %slice3A_41 = vector.extract_strided_slice %add3A_21 {offsets = [0, 128], sizes = [1000, 128], strides = [1, 1]} : vector<1000x384xf32> to vector<1000x128xf32>
    %slice3A_42 = vector.extract_strided_slice %add3A_33 {offsets = [0, 128], sizes = [1000, 128], strides = [1, 1]} : vector<1000x384xf32> to vector<1000x128xf32>
    %add3A_43 = arith.addf %slice3A_41, %slice3A_42 : vector<1000x128xf32>
    %logistic3A_44 = arith.negf %add3A_43 : vector<1000x128xf32>
    %logistic3A_45 = math.exp %logistic3A_44 : vector<1000x128xf32>
    %logistic3A_46 = arith.constant 1.000000e+00 : f32
    %logistic3A_47 = vector.broadcast %logistic3A_46 : f32 to vector<1000x128xf32>
    %logistic3A_48 = arith.addf %logistic3A_47, %logistic3A_45 : vector<1000x128xf32>
    %logistic3A_49 = arith.divf %logistic3A_47, %logistic3A_48 : vector<1000x128xf32>
    %slice3A_50 = vector.extract_strided_slice %add3A_21 {offsets = [0, 256], sizes = [1000, 128], strides = [1, 1]} : vector<1000x384xf32> to vector<1000x128xf32>
    %slice3A_51 = vector.extract_strided_slice %add3A_33 {offsets = [0, 256], sizes = [1000, 128], strides = [1, 1]} : vector<1000x384xf32> to vector<1000x128xf32>
    %mul3A = arith.mulf %logistic3A_40, %slice3A_51 : vector<1000x128xf32>
    %add3A_52 = arith.addf %slice3A_50, %mul3A : vector<1000x128xf32>
    %tanh3A = math.tanh %add3A_52 : vector<1000x128xf32>
    %sub3A = arith.constant 1.000000e+00 : f32
    %sub3A_53 = vector.broadcast %sub3A : f32 to vector<1000x128xf32>
    %sub3A_54 = arith.subf %sub3A_53, %logistic3A_49 : vector<1000x128xf32>
    %mul3A_55 = arith.mulf %sub3A_54, %tanh3A : vector<1000x128xf32>
    %mul3A_56 = arith.mulf %logistic3A_49, %get3A_11 : vector<1000x128xf32>
    %add3A_57 = arith.addf %mul3A_55, %mul3A_56 : vector<1000x128xf32>
    %get3A_58 = arith.constant 0 : index
    %get3A_59 = arith.constant 0 : index
    %get3A_60 = vector.load %arg8[%get3A_58, %get3A_59] : memref<128x256xf32, #tpu.memory_space<vmem>>, vector<128x256xf32>
    %get3A_61 = arith.constant 0 : index
    %get3A_62 = arith.constant 0 : index
    %get3A_63 = vector.load %arg9[%get3A_61, %get3A_62] : memref<128x256xf32, #tpu.memory_space<vmem>>, vector<128x256xf32>
    %slice3A_64 = vector.extract_strided_slice %get3A_60 {offsets = [0, 0], sizes = [128, 128], strides = [1, 1]} : vector<128x256xf32> to vector<128x128xf32>
    %dot_general3A_65 = arith.constant dense<0.000000e+00> : vector<1000x128xf32>
    %dot_general3A_66 = tpu.matmul %add3A_57, %slice3A_64, %dot_general3A_65 {dimension_numbers = #tpu.dot_dimension_numbers<[1], [1], [0], [0], [0, 0, 1, 0], [], []>, transpose_lhs_hint = false} : vector<1000x128xf32>, vector<128x128xf32>, vector<1000x128xf32> -> vector<1000x128xf32>
    %slice3A_67 = vector.extract_strided_slice %get3A_60 {offsets = [0, 128], sizes = [128, 128], strides = [1, 1]} : vector<128x256xf32> to vector<128x128xf32>
    %dot_general3A_68 = arith.constant dense<0.000000e+00> : vector<1000x128xf32>
    %dot_general3A_69 = tpu.matmul %get3A_11, %slice3A_67, %dot_general3A_68 {dimension_numbers = #tpu.dot_dimension_numbers<[1], [1], [0], [0], [0, 0, 1, 0], [], []>, transpose_lhs_hint = false} : vector<1000x128xf32>, vector<128x128xf32>, vector<1000x128xf32> -> vector<1000x128xf32>
    %add3A_70 = arith.addf %dot_general3A_66, %dot_general3A_69 : vector<1000x128xf32>
    %slice3A_71 = vector.extract_strided_slice %get3A_63 {offsets = [0, 0], sizes = [128, 128], strides = [1, 1]} : vector<128x256xf32> to vector<128x128xf32>
    %dot_general3A_72 = arith.constant dense<0.000000e+00> : vector<1000x128xf32>
    %dot_general3A_73 = tpu.matmul %add3A_57, %slice3A_71, %dot_general3A_72 {dimension_numbers = #tpu.dot_dimension_numbers<[1], [1], [0], [0], [0, 0, 1, 0], [], []>, transpose_lhs_hint = false} : vector<1000x128xf32>, vector<128x128xf32>, vector<1000x128xf32> -> vector<1000x128xf32>
    %slice3A_74 = vector.extract_strided_slice %get3A_63 {offsets = [0, 128], sizes = [128, 128], strides = [1, 1]} : vector<128x256xf32> to vector<128x128xf32>
    %dot_general3A_75 = arith.constant dense<0.000000e+00> : vector<1000x128xf32>
    %dot_general3A_76 = tpu.matmul %get3A_11, %slice3A_74, %dot_general3A_75 {dimension_numbers = #tpu.dot_dimension_numbers<[1], [1], [0], [0], [0, 0, 1, 0], [], []>, transpose_lhs_hint = false} : vector<1000x128xf32>, vector<128x128xf32>, vector<1000x128xf32> -> vector<1000x128xf32>
    %add3A_77 = arith.addf %dot_general3A_73, %dot_general3A_76 : vector<1000x128xf32>
    %get3A_78 = arith.constant 0 : index
    %get3A_79 = arith.constant 0 : index
    %get3A_80 = vector.load %arg10[%get3A_78, %get3A_79] : memref<1x128xf32, #tpu.memory_space<vmem>>, vector<1x128xf32>
    %get3A_81 = vector.shape_cast %get3A_80 : vector<1x128xf32> to vector<128xf32>
    %broadcast_in_dim3A_82 = vector.shape_cast %get3A_81 : vector<128xf32> to vector<1x128xf32>
    %add3A_83 = vector.broadcast %broadcast_in_dim3A_82 : vector<1x128xf32> to vector<1000x128xf32>
    %add3A_84 = arith.addf %add3A_77, %add3A_83 : vector<1000x128xf32>
    %logistic3A_85 = arith.negf %add3A_70 : vector<1000x128xf32>
    %logistic3A_86 = math.exp %logistic3A_85 : vector<1000x128xf32>
    %logistic3A_87 = arith.constant 1.000000e+00 : f32
    %logistic3A_88 = vector.broadcast %logistic3A_87 : f32 to vector<1000x128xf32>
    %logistic3A_89 = arith.addf %logistic3A_88, %logistic3A_86 : vector<1000x128xf32>
    %logistic3A_90 = arith.divf %logistic3A_88, %logistic3A_89 : vector<1000x128xf32>
    %tanh3A_91 = math.tanh %add3A_84 : vector<1000x128xf32>
    %mul3A_92 = arith.mulf %logistic3A_90, %tanh3A_91 : vector<1000x128xf32>
    %swap3A = arith.constant 0 : index
    %swap3A_93 = arith.constant 0 : index
    %swap3A_94 = vector.load %arg11[%swap3A, %swap3A_93] : memref<1000x128xf32, #tpu.memory_space<vmem>>, vector<1000x128xf32>
    tpu.vector_store %arg11[%swap3A, %swap3A_93], %mul3A_92 {strides = array<i32>} : memref<1000x128xf32, #tpu.memory_space<vmem>>, vector<1000x128xf32>,
    %get3A_95 = arith.constant 0 : index
    %get3A_96 = arith.constant 0 : index
    %get3A_97 = arith.constant 0 : index
    %get3A_98 = vector.load %arg3[%get3A_95, %get3A_96, %get3A_97] : memref<1x1x1000xi32, #tpu.memory_space<vmem>>, vector<1x1x1000xi32>
    %reshape3A = vector.shape_cast %get3A_98 : vector<1x1x1000xi32> to vector<1x1000xi32>
    %iota3A = tpu.iota {dimensions = array<i32: 0>} : vector<64x1000xi32>
    %eq3A = vector.broadcast %reshape3A : vector<1x1000xi32> to vector<64x1000xi32>
    %eq3A_99 = arith.cmpi eq, %eq3A, %iota3A : vector<64x1000xi32>
    %jit3A = arith.constant 1.000000e+00 : f32
    %jit3A_100 = arith.constant 0.000000e+00 : f32
    %broadcast_in_dim3A_101 = vector.broadcast %jit3A : f32 to vector<64x1000xf32>
    %broadcast_in_dim3A_102 = vector.broadcast %jit3A_100 : f32 to vector<64x1000xf32>
    %select_n3A = arith.select %eq3A_99, %broadcast_in_dim3A_101, %broadcast_in_dim3A_102 : vector<64x1000xi1>, vector<64x1000xf32>
    %dot_general3A_103 = arith.constant dense<0.000000e+00> : vector<64x128xf32>
    %dot_general3A_104 = tpu.matmul %select_n3A, %mul3A_92, %dot_general3A_103 {dimension_numbers = #tpu.dot_dimension_numbers<[1], [0], [0], [1], [0, 0, 1, 1], [], []>, transpose_lhs_hint = false} : vector<64x1000xf32>, vector<1000x128xf32>, vector<64x128xf32> -> vector<64x128xf32>
    %eq3A_105 = arith.constant 0 : i32
    %eq3A_106 = arith.cmpi eq, %arg0, %eq3A_105 : i32
    %convert_element_type3A = arith.extui %eq3A_106 : i1 to i32
    %cond3A = arith.constant 0 : i32
    %cond3A_107 = arith.cmpi ne, %convert_element_type3A, %cond3A : i32
    scf.if %cond3A_107 {
      %swap3A_112 = arith.constant 0 : index
      %swap3A_113 = arith.constant 0 : index
      %swap3A_114 = vector.load %arg12[%swap3A_112, %swap3A_113] : memref<64x128xf32, #tpu.memory_space<vmem>>, vector<64x128xf32>
      tpu.vector_store %arg12[%swap3A_112, %swap3A_113], %dot_general3A_104 {strides = array<i32>} : memref<64x128xf32, #tpu.memory_space<vmem>>, vector<64x128xf32>,
    } else {
    }
    %gt3A = arith.constant 0 : i32
    %gt3A_108 = arith.cmpi sgt, %arg0, %gt3A : i32
    %convert_element_type3A_109 = arith.extui %gt3A_108 : i1 to i32
    %cond3A_110 = arith.constant 0 : i32
    %cond3A_111 = arith.cmpi ne, %convert_element_type3A_109, %cond3A_110 : i32
    scf.if %cond3A_111 {
      %get3A_112 = arith.constant 0 : index
      %get3A_113 = arith.constant 0 : index
      %get3A_114 = vector.load %arg12[%get3A_112, %get3A_113] : memref<64x128xf32, #tpu.memory_space<vmem>>, vector<64x128xf32>
      %add3A_115 = arith.addf %get3A_114, %dot_general3A_104 : vector<64x128xf32>
      %swap3A_116 = arith.constant 0 : index
      %swap3A_117 = arith.constant 0 : index
      %swap3A_118 = vector.load %arg12[%swap3A_116, %swap3A_117] : memref<64x128xf32, #tpu.memory_space<vmem>>, vector<64x128xf32>
      tpu.vector_store %arg12[%swap3A_116, %swap3A_117], %add3A_115 {strides = array<i32>} : memref<64x128xf32, #tpu.memory_space<vmem>>, vector<64x128xf32>,
    } else {
    }
    return
  }
  func.func @transform_0(%arg0: i32) -> (i32, i32, i32) {
    %c0_i32 = arith.constant 0 : i32
    %c0_i32_0 = arith.constant 0 : i32
    %c0_i32_1 = arith.constant 0 : i32
    return %c0_i32, %arg0, %c0_i32_0 : i32, i32, i32
  }
  func.func @transform_1(%arg0: i32) -> (i32, i32) {
    %c0_i32 = arith.constant 0 : i32
    %c0_i32_0 = arith.constant 0 : i32
    return %arg0, %c0_i32 : i32, i32
  }
  func.func @transform_2(%arg0: i32) -> (i32, i32, i32) {
    %c0_i32 = arith.constant 0 : i32
    %c0_i32_0 = arith.constant 0 : i32
    %c0_i32_1 = arith.constant 0 : i32
    return %arg0, %c0_i32, %c0_i32_0 : i32, i32, i32
  }
  func.func @transform_3(%arg0: i32) -> (i32, i32) {
    %c0_i32 = arith.constant 0 : i32
    %c0_i32_0 = arith.constant 0 : i32
    %c0_i32_1 = arith.constant 0 : i32
    return %c0_i32, %c0_i32_0 : i32, i32
  }
  func.func @transform_4(%arg0: i32) -> (i32, i32) {
    %c0_i32 = arith.constant 0 : i32
    %c0_i32_0 = arith.constant 0 : i32
    %c0_i32_1 = arith.constant 0 : i32
    return %c0_i32, %c0_i32_0 : i32, i32
  }
  func.func @transform_5(%arg0: i32) -> (i32, i32) {
    %c0_i32 = arith.constant 0 : i32
    %c0_i32_0 = arith.constant 0 : i32
    %c0_i32_1 = arith.constant 0 : i32
    return %c0_i32, %c0_i32_0 : i32, i32
  }
  func.func @transform_6(%arg0: i32) -> (i32, i32) {
    %c0_i32 = arith.constant 0 : i32
    %c0_i32_0 = arith.constant 0 : i32
    %c0_i32_1 = arith.constant 0 : i32
    return %c0_i32, %c0_i32_0 : i32, i32
  }
  func.func @transform_7(%arg0: i32) -> (i32, i32) {
    %c0_i32 = arith.constant 0 : i32
    %c0_i32_0 = arith.constant 0 : i32
    %c0_i32_1 = arith.constant 0 : i32
    return %c0_i32, %c0_i32_0 : i32, i32
  }
  func.func @transform_8(%arg0: i32) -> (i32, i32) {
    %c0_i32 = arith.constant 0 : i32
    %c0_i32_0 = arith.constant 0 : i32
    %c0_i32_1 = arith.constant 0 : i32
    return %c0_i32, %c0_i32_0 : i32, i32
  }
  func.func @transform_9(%arg0: i32) -> (i32, i32) {
    %c0_i32 = arith.constant 0 : i32
    %c0_i32_0 = arith.constant 0 : i32
    %c0_i32_1 = arith.constant 0 : i32
    return %c0_i32, %c0_i32_0 : i32, i32
  }
  func.func @transform_10(%arg0: i32) -> (i32, i32) {
    %c0_i32 = arith.constant 0 : i32
    %c0_i32_0 = arith.constant 0 : i32
    return %arg0, %c0_i32 : i32, i32
  }
  func.func @transform_11(%arg0: i32) -> (i32, i32) {
    %c0_i32 = arith.constant 0 : i32
    %c0_i32_0 = arith.constant 0 : i32
    %c0_i32_1 = arith.constant 0 : i32
    return %c0_i32, %c0_i32_0 : i32, i32
  }
}

</mosaic_0001>

<sc_bundles>
// kernel: kernel.5.cloned.1.call-start
scs
__scs_entry_jumppad:
0x0: {  	(pc) =	sbr.rel $0x88, $3  }
0x1: {  	(tag) =	ssettag $0x0;
	lr =	simm.s32 $0x1  }
0x2: {  	[smem:$0x3F94] =	sst lr;
	_ =	strace $0xD0000000  }
0x3: {  	_ = 	snop  }
0x4: {  	_ = 	snop  }
0x5: {  	_ = 	snop  }
0x6: {  	_ = 	snop  }
0x7: {  	_ = 	snop  }
__scs_overlays_trampoline_lowered:
0x8: {  	[smem:$0x3FA3] =	sst s0  }
0x9: {  	[smem:$0x3FA4] =	sst s1  }
0xa: {  	[smem:$0x3FA5] =	sst s2  }
0xb: {  	[smem:$0x3FA6] =	sst s3  }
0xc: {  	[smem:$0x3FA7] =	sst s4  }
0xd: {  	[smem:$0x3FA8] =	sst s5  }
0xe: {  	[smem:$0x3FA9] =	sst s6  }
0xf: {  	[smem:$0x3FAA] =	sst s7  }
0x10: {  	[smem:$0x3FAB] =	sst s8  }
0x11: {  	[smem:$0x3FAC] =	sst s9;
	s0 =	simm.s32 @!p0 $0x0  }
0x12: {  	s1 =	sld [smem:$0x3F92];
	s0 =	simm.s32 @p0 $0x1  }
0x13: {  	[smem:$0x3FAD] =	sst s0;
	s0 =	simm.s32 @!p1 $0x0  }
0x14: {  	s2 =	sld [smem:$0x3F91];
	s0 =	simm.s32 @p1 $0x1  }
0x15: {  	[smem:$0x3FAE] =	sst s0;
	s0 =	simm.s32 @!p2 $0x0  }
0x16: {  	s3 =	sld [smem:$0x3FDB];
	s0 =	simm.s32 @p2 $0x1  }
0x17: {  	s4 =	simm.s32 $0x1BF5;
	[smem:$0x3FB0] =	sst s0  }
0x18: {  	s0 =	sld [smem:$0x3F93];
	_ =	swait.ge [sflag:s4], $0x0  }
0x19: {  	s7 =	sld [smem:$0x3F94]  }
0x1a: {  	s8 =	sadd.s32 $0xFFFFE003, lr  }
0x1b: {  	s9 =	sadd.s32 $0xFFFFFEF7, lr;
	s5 =	simm.s32 $0xFFFFFFFF;
	p2 =	slt.u32 s8, $0xFFFFF086  }
0x1c: {  	p1 =	slt.u32 s9, $0xF7A;
	s5 =	simm.s32 @!p2 $0x0  }
0x1d: {  	s5 =	simm.s32 @p1 $0x1;
	p0 =	seq.s32 s7, s2  }
0x1e: {  	s7 =	smul.u32 @!p0 $0xF7A, s2;
	p2 =	seq.s32 @!p0 s5, $0x0  }
0x1f: {  	s9 =	smul.u32 $0xF7A, s1;
	s8 =	simm.s32 @!p0 $0x1BF5;
	p2 =	por !p2, p0  }
0x20: {  	[sflag:s8] =	ssyncset.s32 @!p0 $0xFFFFF086;
	s6 =	sadd.s32 @!p0 s3, s7;
	s7 =	simm.s32 @!p0 $0x108  }
0x21: {  	s3 =	sadd.s32 s3, s9;
	s6 =	sadd.s32 @!p0 $0x88, s6;
	s7 =	simm.s32 @p2 $0x1082  }
0x22: {  	[simem:s7], [sflag:s8] =	dma.local @!p0 [hbm:s6], $0xF7A  }
0x23: {  	s9 =	sor.u32 $0xD0000000, s2;
	s6 =	simm.s32 $0x108;
	_ =	swait.ge @!p0 [sflag:s8], $0x0  }
0x24: {  	s3 =	sadd.s32 $0x88, s3;
	s6 =	simm.s32 @!p1 $0x1082;
	[sflag:s4] =	ssyncset.s32 $0xFFFFF086  }
0x25: {  	[simem:s6], [sflag:s4] =	dma.local [hbm:s3], $0xF7A  }
0x26: {  	[smem:$0x3F94] =	sst s1;
	(tag) =	ssettag s2;
	_ =	strace s9  }
0x27: {  	s1 =	sld [smem:$0x3FA4]  }
0x28: {  	s2 =	sld [smem:$0x3FA5]  }
0x29: {  	s4 =	sld [smem:$0x3FA7]  }
0x2a: {  	p0 =	seq.s32 s5, $0x0;
	s5 =	sld [smem:$0x3FA8]  }
0x2b: {  	s6 =	sld [smem:$0x3FA9]  }
0x2c: {  	s7 =	sld [smem:$0x3FAA]  }
0x2d: {  	s3 =	simm.s32 $0x108;
	s8 =	sld [smem:$0x3FAB]  }
0x2e: {  	s3 =	simm.s32 @!p0 $0x1082;
	s9 =	sld [smem:$0x3FAC]  }
0x2f: {  	lr =	sadd.s32 s0, s3;
	s0 =	sld [smem:$0x3FA3]  }
0x30: {  	s3 =	sld [smem:$0x3FA6]  }
0x31: {  	[smem:$0x3FAF] =	sst s10  }
0x32: {  	s10 =	sld [smem:$0x3FAD];
	_ =	sdelay $0x3  }
0x33: {  	p0 =	seq.s32 s10, $0x1;
	s10 =	sld [smem:$0x3FAF];
	_ =	sdelay $0x3  }
0x34: {  	[smem:$0x3FAF] =	sst s10  }
0x35: {  	s10 =	sld [smem:$0x3FAE];
	_ =	sdelay $0x3  }
0x36: {  	p1 =	seq.s32 s10, $0x1;
	s10 =	sld [smem:$0x3FAF];
	_ =	sdelay $0x3  }
0x37: {  	[smem:$0x3FAF] =	sst s10  }
0x38: {  	s10 =	sld [smem:$0x3FB0]  }
0x39: {  	_ = 	snop;
	(pc) =	sbr.ind lr, $3  }
0x3a: {  	_ = 	snop  }
0x3b: {  	_ = 	snop  }
0x3c: {  	p2 =	seq.s32 s10, $0x1;
	s10 =	sld [smem:$0x3FAF]  }
0x3d: {  	_ =	shalt  }
0x3e: {  	_ =	shalt  }
0x3f: {  	_ =	shalt  }
0x40: {  	_ =	shalt  }
0x41: {  	_ =	shalt  }
0x42: {  	_ =	shalt  }
0x43: {  	_ =	shalt  }
0x44: {  	_ =	shalt  }
0x45: {  	_ =	shalt  }
0x46: {  	_ =	shalt  }
0x47: {  	_ =	shalt  }
0x48: {  	_ =	shalt  }
0x49: {  	_ =	shalt  }
0x4a: {  	_ =	shalt  }
0x4b: {  	_ =	shalt  }
0x4c: {  	_ =	shalt  }
0x4d: {  	_ =	shalt  }
0x4e: {  	_ =	shalt  }
0x4f: {  	_ =	shalt  }
0x50: {  	_ =	shalt  }
0x51: {  	_ =	shalt  }
0x52: {  	_ =	shalt  }
0x53: {  	_ =	shalt  }
0x54: {  	_ =	shalt  }
0x55: {  	_ =	shalt  }
0x56: {  	_ =	shalt  }
0x57: {  	_ =	shalt  }
0x58: {  	_ =	shalt  }
0x59: {  	_ =	shalt  }
0x5a: {  	_ =	shalt  }
0x5b: {  	_ =	shalt  }
0x5c: {  	_ =	shalt  }
0x5d: {  	_ =	shalt  }
0x5e: {  	_ =	shalt  }
0x5f: {  	_ =	shalt  }
0x60: {  	_ =	shalt  }
0x61: {  	_ =	shalt  }
0x62: {  	_ =	shalt  }
0x63: {  	_ =	shalt  }
0x64: {  	_ =	shalt  }
0x65: {  	_ =	shalt  }
0x66: {  	_ =	shalt  }
0x67: {  	_ =	shalt  }
0x68: {  	_ =	shalt  }
0x69: {  	_ =	shalt  }
0x6a: {  	_ =	shalt  }
0x6b: {  	_ =	shalt  }
0x6c: {  	_ =	shalt  }
0x6d: {  	_ =	shalt  }
0x6e: {  	_ =	shalt  }
0x6f: {  	_ =	shalt  }
0x70: {  	_ =	shalt  }
0x71: {  	_ =	shalt  }
0x72: {  	_ =	shalt  }
0x73: {  	_ =	shalt  }
0x74: {  	_ =	shalt  }
0x75: {  	_ =	shalt  }
0x76: {  	_ =	shalt  }
0x77: {  	_ =	shalt  }
0x78: {  	_ =	shalt  }
0x79: {  	_ =	shalt  }
0x7a: {  	_ =	shalt  }
0x7b: {  	_ =	shalt  }
0x7c: {  	_ =	shalt  }
0x7d: {  	_ =	shalt  }
0x7e: {  	_ =	shalt  }
0x7f: {  	_ =	shalt  }
0x80: {  	_ =	shalt  }
0x81: {  	_ =	shalt  }
0x82: {  	_ =	shalt  }
0x83: {  	_ =	shalt  }
0x84: {  	_ =	shalt  }
0x85: {  	_ =	shalt  }
0x86: {  	_ =	shalt  }
0x87: {  	_ =	shalt  }
.Lfunc_end0:
.L_simem_size_0:
called_computation_lowered:
.L_overlay_start_0:
0x88: {  	s2 =	sld [smem:$0x3FD9]  }
0x89: {  	s3 =	sld [smem:$0x3FFE];
	_ =	sdelay $0x1  }
0x8a: {  	s1 =	srdreg.scid  }
0x8b: {  	s0 =	sand.u32 $0x1, s1  }
0x8c: {  	s14 =	sshll.u32 s0, $0xA;
	s2 =	sadd.s32 s3, s2  }
0x8d: {  	s2 =	sadd.s32 s2, s14  }
0x8e: {  	[smem:$0x3FBB] =	sst s2  }
0x8f: {  	_ = 	snop  }
0x90: {  	s2 =	sld [smem:$0x3FD0];
	_ =	sdelay $0x2  }
0x91: {  	s15 =	simm.s32 $0xA;
	s4 =	simm.s32 $0x10  }
0x92: {  	[smem:s4], [sflag:s15] =	dma.local [hbm:s2], $0x1  }
0x93: {  	_ =	swait.eq [sflag:s15], $0x1  }
0x94: {  	[sflag:s15] =	ssyncset.done $0x0  }
0x95: {  	[sflag:s15] =	ssyncadd.s32 $0xFFFFFFFF  }
0x96: {  	s16 =	sld [smem:$0x10];
	(tm) =	ssettm $0x1  }
0x97: {  	s17 =	sld [smem:$0x3FFB];
	_ =	sdelay $0x3  }
0x98: {  	_ =	strace s17  }
0x99: {  	s3 =	sld [smem:$0x3FFC];
	_ =	sdelay $0x3  }
0x9a: {  	_ =	strace s3  }
0x9b: {  	s3 =	sld [smem:$0x3FFD];
	_ =	sdelay $0x3  }
0x9c: {  	_ =	strace s3  }
0x9d: {  	_ =	strace $0x8FFFFFFF  }
0x9e: {  	s18 =	sld [smem:$0x3FDB];
	_ =	sdelay $0x1  }
0x9f: {  	s19 =	simm.s32 $_scs_section_size  }
0xa0: {  	s5 =	simm.s32 $_size__tile_overlayer_lowered;
	s6 =	simm.s32 $_tile_overlayer_lowered  }
0xa1: {  	s22 =	simm.s32 $0x1BFF;
	s21 =	sshll.u32 s6, $0x1;
	s3 =	sadd.s32 s19, s18  }
0xa2: {  	s7 =	simm.s32 $0x0;
	s20 =	sshll.u32 s5, $0x1;
	s5 =	sadd.s32 s21, s3  }
0xa3: {  	[timem:s7], [sflag:s22] =	dma.local [hbm:s5], s20  }
0xa4: {  	_ =	swait.ge [sflag:s22], s20  }
0xa5: {  	s4 =	ssub.s32 $0x0, s20;
	[sflag:s22] =	ssyncset.done $0x0  }
0xa6: {  	[sflag:s22] =	ssyncadd.s32 s4;
	_ =	sdelay $0x1  }
0xa7: {  	s23 =	simm.s32 $0x1B8B  }
0xa8: {  	_ =	swait.ge [sflag:s23], $0x1  }
0xa9: {  	[sflag:s23] =	ssyncset.done $0x0  }
0xaa: {  	s25 =	simm.s32 $0x1B8E;
	s24 =	sld [smem:$0x3FFE];
	[sflag:s23] =	ssyncadd.s32 $0xFFFFFFFF  }
0xab: {  	s26 =	simm.s32 $execute0_lowered;
	[smem:$0x3FD2] =	sst s25  }
0xac: {  	s5 =	sshll.u32 s26, $0x1;
	_ =	strace $0x80000046;
	[dreg:$0x1] =	wrdreg $0xFFFFFFFF  }
0xad: {  	s28 =	simm.s32 $_size_execute0_lowered;
	s3 =	sadd.s32 s3, s5;
	[dreg:$0x0] =	wrdreg $0x0  }
0xae: {  	s5 =	sshll.u32 s28, $0x1;
	[dreg:$0x2] =	wrdreg s3  }
0xaf: {  	[dreg:$0x3] =	wrdreg s5  }
0xb0: {  	[dreg:$0x4] =	wrdreg $0xC0  }
0xb1: {  	_ =	task [dreg:s7], $0x5FFFF  }
0xb2: {  	[dreg:$0x1] =	wrdreg $0xFFFFFFFF  }
0xb3: {  	[dreg:$0x0] =	wrdreg $0x60  }
0xb4: {  	[dreg:$0x2] =	wrdreg s24  }
0xb5: {  	[dreg:$0x3] =	wrdreg s16  }
0xb6: {  	[dreg:$0x4] =	wrdreg $0xBB800  }
0xb7: {  	[dreg:$0x5] =	wrdreg $0x9  }
0xb8: {  	_ =	task.clear_ibuf [dreg:s7], $0x6FFFF;
	_ =	strace $0x90000046  }
0xb9: {  	s29 =	simm.s32 $0x9;
	_ =	strace $0x80000048  }
0xba: {  	_ =	swait.ge [sflag:s29], $0x1  }
0xbb: {  	[sflag:s29] =	ssyncadd.s32 $0xFFFFFFFF  }
0xbc: {  	_ =	strace $0x90000048  }
0xbd: {  	_ =	sfence  }
0xbe: {  	s30 =	sld [smem:$0x0];
	_ =	sdelay $0x2  }
0xbf: {  	s31 =	sshll.u32 s1, $0xD;
	s1 =	sshrl.u32 s1, $0x2  }
0xc0: {  	s3 =	sand.u32 $0x4000, s31;
	s1 =	sadd.s32 s1, s30  }
0xc1: {  	s0 =	sor.u32 s3, s0;
	s1 =	sshll.u32 s1, $0x11  }
0xc2: {  	s0 =	sor.u32 s1, s0  }
0xc3: {  	s0 =	sadd.s32 $0x8F2B, s0  }
0xc4: {  	[sflag:s0] =	ssyncadd.remote.s32 $0x1  }
0xc5: {  	_ =	sfence.sel $0xFFFF  }
0xc6: {  	[dreg:$0x0] =	wrdreg $0xFFFFFFFF;
	(pc) =	sbr.abs _section_cstart, $3  }
0xc7: {  	[dreg:$0x1] =	wrdreg $0xFFFFFFFF  }
0xc8: {  	_ =	task.clear_ibuf [dreg:s7], $0x2FFFF;
	_ =	strace $0x9FFFFFFF  }
0xc9: {  	(tm) =	ssettm $0x7FFFFFFF  }
tec
execute0_lowered:
.L_overlay_start_1:
0x0: {  	(tag) =	ssettag $0x1  }
0x1: {  	s0 =	rddreg [dreg:$0x0]  }
0x2: {  	s1 =	srdreg.scid;
	s5 =	rddreg [dreg:$0x1]  }
0x3: {  	s22 =	stileid.u32;
	s2 =	rddreg [dreg:$0x2]  }
0x4: {  	s17 =	simm.s32 $0x5;
	s18 =	simm.s32 $0x2780;
	s20 =	simm.s32 $0x80  }
0x5: {  	s21 =	simm.s32 $0x1;
	s29 =	simm.s32 $0x2800;
	s30 =	simm.s32 $0x4  }
0x6: {  	s28 =	simm.s32 $0x10;
	s1 =	sand.u32 $0x1, s1;
	s9 =	smul.u32 $0xFA000, s22  }
0x7: {  	s3 =	sshll.u32 s22, $0x1;
	s26 =	smul.u32 $0xA000, s22;
	s19 =	sor.u32 $0x70, s22  }
0x8: {  	p1 =	sgt.u32 s22, $0x4;
	s4 =	sor.u32 s1, s3;
	s7 =	smul.u32 $0x27100, s1  }
0x9: {  	s3 =	simm.s32 $0x0;
	s1 =	ssub.s32 $0x2, s1;
	s31 =	smul.u32 $0xA000, s19  }
0xa: {  	p0 =	sgt.u32 s19, $0x7C;
	s19 =	simm.s32 $0x3B80;
	s4 =	smul.u32 $0x2710, s4  }
0xb: {  	[smem:$0x7FF] =	sst s3;
	s23 =	sshrl.u32 s1, $0x1;
	s25 =	sshrl.u32 s9, $0x2  }
0xc: {  	s9 =	sshrl.u32 s26, $0x2;
	s26 =	simm.s32 $0x3;
	_ =	strace $0x80000047  }
0xd: {  	s1 =	ssub.s32 s1, s23;
	s23 =	smul.u32 $0x7D00, s22;
	s9 =	sadd.s32 s9, s2  }
0xe: {  	s22 =	simm.s32 $0x7B80;
	s6 =	sshrl.u32 s4, $0x3;
	s4 =	sadd.s32 $0x2A00, s0  }
0xf: {  	s10 =	sadd.s32 $0x28000, s9;
	s11 =	sadd.s32 $0x50000, s9;
	s12 =	sadd.s32 $0x78000, s9  }
0x10: {  	s13 =	sadd.s32 $0xA0000, s9;
	s14 =	sadd.s32 $0xC8000, s9;
	s15 =	sadd.s32 $0xF0000, s9  }
0x11: {  	s8 =	sadd.s32 s6, s0;
	s0 =	sadd.s32 s7, s0;
	s5 =	sadd.s32 s5, s6  }
.Ltmp0:
0x12: {  	s24 =	sadd.s32 $0x9EE00, s8;
	s6 =	sadd.s32 $0x9C40, s5;
	(pc) =	sbr.rel .LBB2_1-.Ltmp0, $4  }
0x13: {  	s7 =	sadd.s32 $0x9EC0, s5;
	s0 =	sadd.s32 $0xA8C00, s0;
	s5 =	sadd.s32 s25, s2  }
0x14: {  	s8 =	smax.u32 s1, $0x1;
	s1 =	sshrl.u32 s31, $0x2;
	[dreg:$0x4] =	wrdreg s24  }
0x15: {  	[dreg:$0x5] =	wrdreg s6;
	s16 =	sadd.s32 s1, s2;
	s23 =	sadd.s32 @!p1 s23, s0  }
0x16: {  	v0 =	vimm.f32 $0.0e+00;
	s24 =	simm.s32 $0x2;
	s25 =	sshrl.u32 @!p1 s5, $0x3;
	s0 =	simm.s32 $0x0  }
.LBB2_9:
0x17: {  	[spmem:s2] =	stream.indirect.scatter.add.f32 [tilespmem:s22], [sflag:$0x4], $0x80, s5, s20, $0xb8;
	[tilespmem:$0x1F400] =	vst v63  }
0x18: {  	_ =	swait.ge [sflag:s30], $0x4000  }
0x19: {  	[sflag:s30] =	ssyncset.done $0x0  }
0x1a: {  	s1 =	simm.s32 $0x2700;
	[sflag:s30] =	ssyncadd.s32 $0xFFFFC000  }
0x1b: {  	[tilespmem:s19], [sflag:$0x1] =	stream.indirect.gather [hbm4b:s4+s28], $0x80, s1, s28, $0xb8;
	[tilespmem:$0x1F400] =	vst v63  }
0x1c: {  	_ =	swait.ge [sflag:s21], $0x800  }
0x1d: {  	[sflag:s21] =	ssyncset.done $0x0  }
0x1e: {  	s31 =	simm.s32 $0x3A80;
	[sflag:s21] =	ssyncadd.s32 $0xFFFFF800  }
0x1f: {  	[spmem:s2] =	stream.indirect.scatter.add.f32 [tilespmem:s19], [sflag:$0x3], $0x80, s31, s28, $0xb8;
	[tilespmem:$0x1F400] =	vst v63  }
0x20: {  	_ =	swait.ge [sflag:s26], $0x800  }
0x21: {  	s1 =	stileid.u32;
	[sflag:s26] =	ssyncset.done $0x0  }
0x22: {  	s0 =	sadd.s32 $0x1, s0;
	s1 =	sshll.u32 @!p1 s1, $0x6;
	[sflag:s26] =	ssyncadd.s32 $0xFFFFF800  }
0x23: {  	p2 =	sne.s32 s0, s8;
	s1 =	sor.u32 @!p1 $0x1C05, s1;
	[bflag:$0x0] =	sbarrier.arrive $0xFFFF  }
0x24: {  	[hbm:s23], [sflag:s1] =	dma.local @!p1 [spmem:s25], $0x7D00  }
.Ltmp1:
0x25: {  	_ = 	snop;
	(pc) =	sbr.rel @!p2 .LBB2_10-.Ltmp1, $4  }
0x26: {  	s1 =	simm.s32 @!p1 $0x5  }
0x27: {  	_ =	swait.ge @!p1 [sflag:s1], $0x7D00  }
0x28: {  	[sflag:s1] =	ssyncset.done @!p1 $0x0  }
0x29: {  	[sflag:s1] =	ssyncadd.s32 @!p1 $0xFFFF8300  }
.LBB2_1:
0x2a: {  	s1 =	rddreg [dreg:$0x4]  }
0x2b: {  	[tilespmem:s3], [sflag:$0x5] =	stream.linear.gather [hbm4b:s1+s3], $0x2710, $0x38;
	[tilespmem:$0x1F400] =	vst v63  }
0x2c: {  	_ =	swait.ge [sflag:s17], $0x2710  }
0x2d: {  	[sflag:s17] =	ssyncset.done $0x0  }
0x2e: {  	s5 =	rddreg [dreg:$0x5];
	[sflag:s17] =	ssyncadd.s32 $0xFFFFD8F0  }
0x2f: {  	[tilespmem:s18], [sflag:$0x5] =	stream.linear.gather [hbm4b:s5+s3], $0x1400, $0x38;
	[tilespmem:$0x1F400] =	vst v63  }
0x30: {  	s6 =	sand.u32 $0xFE00, s3;
	s31 =	simm.s32 $0x40;
	_ =	swait.ge [sflag:s17], $0x1400  }
0x31: {  	s1 =	sshrl.u32 s6, $0x2;
	s5 =	sand.u32 $0x70, s3;
	[sflag:s17] =	ssyncset.done $0x0  }
0x32: {  	s5 =	sor.u32 s5, s1;
	s1 =	simm.s32 $0x0;
	[sflag:s17] =	ssyncadd.s32 $0xFFFFEC00  }
.LBB2_2:
0x33: {  	p2 =	sne.s32 s31, $0xFFC0  }
0x34: {  	[tilespmem:s5+$0x3B80] =	vst v0;
	s1 =	sadd.s32 $0x10, s1;
	s5 =	smov.u32 s31;
	s31 =	sadd.s32 $0x40, s31  }
.Ltmp2:
0x35: {  	(pc) =	sbr.rel @p2 .LBB2_2-.Ltmp2, $4  }
0x36: {  	_ = 	snop  }
0x37: {  	s5 =	sand.u32 $0xFE00, s5  }
0x38: {  	s6 =	sand.u32 $0x70, s1;
	s5 =	sshrl.u32 s5, $0x2  }
0x39: {  	s5 =	sor.u32 s6, s5  }
0x3a: {  	[tilespmem:s5+$0x3B80] =	vst v0  }
0x3b: {  	[spmem:s9] =	stream.linear.scatter [tilespmem:s19], [sflag:$0x5], $0x2800, $0x38;
	[tilespmem:$0x1F400] =	vst v63  }
0x3c: {  	_ =	swait.ge [sflag:s17], $0x2800  }
0x3d: {  	[sflag:s17] =	ssyncset.done $0x0  }
0x3e: {  	[sflag:s17] =	ssyncadd.s32 $0xFFFFD800  }
0x3f: {  	[spmem:s10] =	stream.linear.scatter [tilespmem:s19], [sflag:$0x5], $0x2800, $0x38;
	[tilespmem:$0x1F400] =	vst v63  }
0x40: {  	_ =	swait.ge [sflag:s17], $0x2800  }
0x41: {  	[sflag:s17] =	ssyncset.done $0x0  }
0x42: {  	[sflag:s17] =	ssyncadd.s32 $0xFFFFD800  }
0x43: {  	[spmem:s11] =	stream.linear.scatter [tilespmem:s19], [sflag:$0x5], $0x2800, $0x38;
	[tilespmem:$0x1F400] =	vst v63  }
0x44: {  	_ =	swait.ge [sflag:s17], $0x2800  }
0x45: {  	[sflag:s17] =	ssyncset.done $0x0  }
0x46: {  	[sflag:s17] =	ssyncadd.s32 $0xFFFFD800  }
0x47: {  	[spmem:s12] =	stream.linear.scatter [tilespmem:s19], [sflag:$0x5], $0x2800, $0x38;
	[tilespmem:$0x1F400] =	vst v63  }
0x48: {  	_ =	swait.ge [sflag:s17], $0x2800  }
0x49: {  	[sflag:s17] =	ssyncset.done $0x0  }
0x4a: {  	[sflag:s17] =	ssyncadd.s32 $0xFFFFD800  }
0x4b: {  	[spmem:s13] =	stream.linear.scatter [tilespmem:s19], [sflag:$0x5], $0x2800, $0x38;
	[tilespmem:$0x1F400] =	vst v63  }
0x4c: {  	_ =	swait.ge [sflag:s17], $0x2800  }
0x4d: {  	[sflag:s17] =	ssyncset.done $0x0  }
0x4e: {  	[sflag:s17] =	ssyncadd.s32 $0xFFFFD800  }
0x4f: {  	[spmem:s14] =	stream.linear.scatter [tilespmem:s19], [sflag:$0x5], $0x2800, $0x38;
	[tilespmem:$0x1F400] =	vst v63  }
0x50: {  	_ =	swait.ge [sflag:s17], $0x2800  }
0x51: {  	[sflag:s17] =	ssyncset.done $0x0  }
0x52: {  	[sflag:s17] =	ssyncadd.s32 $0xFFFFD800  }
0x53: {  	[spmem:s15] =	stream.linear.scatter [tilespmem:s19], [sflag:$0x5], $0x2800, $0x38;
	[tilespmem:$0x1F400] =	vst v63  }
0x54: {  	_ =	swait.ge [sflag:s17], $0x2800  }
0x55: {  	[sflag:s17] =	ssyncset.done $0x0  }
0x56: {  	s1 =	simm.s32 @!p0 $0x3B80;
	[sflag:s17] =	ssyncadd.s32 $0xFFFFD800  }
0x57: {  	[spmem:s16] =	stream.linear.scatter @!p0 [tilespmem:s1], [sflag:$0x5], $0x2800, $0x38;
	[tilespmem:$0x1F400] =	vst v63  }
0x58: {  	s1 =	simm.s32 @!p0 $0x5  }
0x59: {  	_ =	swait.ge @!p0 [sflag:s1], $0x2800  }
0x5a: {  	[sflag:s1] =	ssyncset.done @!p0 $0x0  }
0x5b: {  	[sflag:s1] =	ssyncadd.s32 @!p0 $0xFFFFD800  }
0x5c: {  	[bflag:$0x0] =	sbarrier.arrive $0xFFFF  }
0x5d: {  	[tilespmem:s19], [sflag:$0x1] =	stream.indirect.gather [hbm4b:s4+s20], $0x80, s3, s20, $0xb8;
	[tilespmem:$0x1F400] =	vst v63  }
0x5e: {  	_ =	swait.ge [sflag:s21], $0x4000  }
0x5f: {  	[sflag:s21] =	ssyncset.done $0x0  }
0x60: {  	[sflag:s21] =	ssyncadd.s32 $0xFFFFC000  }
0x61: {  	[tilespmem:s22], [sflag:$0x2] =	stream.indirect.gather [hbm4b:s4+s20], $0x80, s20, s20, $0xb8;
	[tilespmem:$0x1F400] =	vst v63  }
0x62: {  	_ = 	snop  }
0x63: {  	[spmem:s2] =	stream.indirect.scatter.add.f32 [tilespmem:s19], [sflag:$0x3], $0x80, s18, s20, $0xb8;
	[tilespmem:$0x1F400] =	vst v63  }
0x64: {  	_ =	swait.ge [sflag:s24], $0x4000  }
0x65: {  	[sflag:s24] =	ssyncset.done $0x0  }
0x66: {  	[sflag:s24] =	ssyncadd.s32 $0xFFFFC000  }
0x67: {  	_ =	swait.ge [sflag:s26], $0x4000  }
0x68: {  	[sflag:s26] =	ssyncset.done $0x0  }
0x69: {  	s6 =	simm.s32 $0x100;
	[sflag:s26] =	ssyncadd.s32 $0xFFFFC000  }
0x6a: {  	[tilespmem:s19], [sflag:$0x1] =	stream.indirect.gather [hbm4b:s4+s20], $0x80, s6, s20, $0xb8;
	[tilespmem:$0x1F400] =	vst v63  }
0x6b: {  	s31 =	simm.s32 $0xFFFFB800  }
0x6c: {  	[spmem:s2] =	stream.indirect.scatter.add.f32 [tilespmem:s22], [sflag:$0x4], $0x80, s29, s20, $0xb8;
	[tilespmem:$0x1F400] =	vst v63  }
.LBB2_4:
0x6d: {  	_ =	swait.ge [sflag:s21], $0x4000  }
0x6e: {  	[sflag:s21] =	ssyncset.done $0x0  }
0x6f: {  	[sflag:s21] =	ssyncadd.s32 $0xFFFFC000  }
0x70: {  	_ =	swait.ge [sflag:s30], $0x4000  }
0x71: {  	s1 =	sshra.s32 s31, $0x2;
	[sflag:s30] =	ssyncset.done $0x0  }
0x72: {  	s5 =	sadd.s32 $0x1380, s1;
	[sflag:s30] =	ssyncadd.s32 $0xFFFFC000  }
0x73: {  	[tilespmem:s22], [sflag:$0x2] =	stream.indirect.gather [hbm4b:s4+s20], $0x80, s5, s20, $0xb8;
	[tilespmem:$0x1F400] =	vst v63  }
0x74: {  	s6 =	sadd.s32 $0x3A80, s1  }
0x75: {  	[spmem:s2] =	stream.indirect.scatter.add.f32 [tilespmem:s19], [sflag:$0x3], $0x80, s6, s20, $0xb8;
	[tilespmem:$0x1F400] =	vst v63  }
0x76: {  	p2 =	seq.s32 s31, $0x0;
	_ =	swait.ge [sflag:s24], $0x4000  }
.Ltmp3:
0x77: {  	[sflag:s24] =	ssyncset.done $0x0;
	(pc) =	sbr.rel @p2 .LBB2_6-.Ltmp3, $4  }
0x78: {  	[sflag:s24] =	ssyncadd.s32 $0xFFFFC000  }
0x79: {  	_ =	swait.ge [sflag:s26], $0x4000  }
0x7a: {  	[sflag:s26] =	ssyncset.done $0x0  }
0x7b: {  	s5 =	sadd.s32 $0x3B00, s1;
	[sflag:s26] =	ssyncadd.s32 $0xFFFFC000  }
.Ltmp4:
0x7c: {  	(pc) =	sbr.rel .LBB2_4-.Ltmp4, $4  }
0x7d: {  	s1 =	sadd.s32 $0x1400, s1  }
0x7e: {  	[tilespmem:s19], [sflag:$0x1] =	stream.indirect.gather [hbm4b:s4+s20], $0x80, s1, s20, $0xb8;
	[tilespmem:$0x1F400] =	vst v63  }
0x7f: {  	s31 =	sadd.s32 $0x400, s31  }
0x80: {  	[spmem:s2] =	stream.indirect.scatter.add.f32 [tilespmem:s22], [sflag:$0x4], $0x80, s5, s20, $0xb8;
	[tilespmem:$0x1F400] =	vst v63  }
.LBB2_6:
0x81: {  	[spmem:s2] =	stream.indirect.scatter.add.f32 [tilespmem:s22], [sflag:$0x4], $0x80, s5, s20, $0xb8;
	[tilespmem:$0x1F400] =	vst v63  }
0x82: {  	_ =	swait.ge [sflag:s30], $0x4000  }
0x83: {  	[sflag:s30] =	ssyncset.done $0x0  }
0x84: {  	[sflag:s30] =	ssyncadd.s32 $0xFFFFC000  }
0x85: {  	[tilespmem:s18], [sflag:$0x5] =	stream.linear.gather [hbm4b:s7+s3], $0x1310, $0x38;
	[tilespmem:$0x1F400] =	vst v63  }
0x86: {  	_ =	swait.ge [sflag:s17], $0x1310  }
0x87: {  	[sflag:s17] =	ssyncset.done $0x0  }
0x88: {  	s1 =	simm.s32 $0x1400;
	[sflag:s17] =	ssyncadd.s32 $0xFFFFECF0  }
0x89: {  	[tilespmem:s19], [sflag:$0x1] =	stream.indirect.gather [hbm4b:s4+s20], $0x80, s1, s20, $0xb8;
	[tilespmem:$0x1F400] =	vst v63  }
0x8a: {  	_ =	swait.ge [sflag:s21], $0x4000  }
0x8b: {  	[sflag:s21] =	ssyncset.done $0x0  }
0x8c: {  	s5 =	simm.s32 $0x1480;
	[sflag:s21] =	ssyncadd.s32 $0xFFFFC000  }
0x8d: {  	[tilespmem:s22], [sflag:$0x2] =	stream.indirect.gather [hbm4b:s4+s20], $0x80, s5, s20, $0xb8;
	[tilespmem:$0x1F400] =	vst v63  }
0x8e: {  	_ = 	snop  }
0x8f: {  	[spmem:s2] =	stream.indirect.scatter.add.f32 [tilespmem:s19], [sflag:$0x3], $0x80, s18, s20, $0xb8;
	[tilespmem:$0x1F400] =	vst v63  }
0x90: {  	_ =	swait.ge [sflag:s24], $0x4000  }
0x91: {  	[sflag:s24] =	ssyncset.done $0x0  }
0x92: {  	[sflag:s24] =	ssyncadd.s32 $0xFFFFC000  }
0x93: {  	_ =	swait.ge [sflag:s26], $0x4000  }
0x94: {  	[sflag:s26] =	ssyncset.done $0x0  }
0x95: {  	s6 =	simm.s32 $0x1500;
	[sflag:s26] =	ssyncadd.s32 $0xFFFFC000  }
0x96: {  	[tilespmem:s19], [sflag:$0x1] =	stream.indirect.gather [hbm4b:s4+s20], $0x80, s6, s20, $0xb8;
	[tilespmem:$0x1F400] =	vst v63  }
0x97: {  	s31 =	simm.s32 $0xFFFFBC00  }
0x98: {  	[spmem:s2] =	stream.indirect.scatter.add.f32 [tilespmem:s22], [sflag:$0x4], $0x80, s29, s20, $0xb8;
	[tilespmem:$0x1F400] =	vst v63  }
.LBB2_7:
0x99: {  	_ =	swait.ge [sflag:s21], $0x4000  }
0x9a: {  	[sflag:s21] =	ssyncset.done $0x0  }
0x9b: {  	[sflag:s21] =	ssyncadd.s32 $0xFFFFC000  }
0x9c: {  	_ =	swait.ge [sflag:s30], $0x4000  }
0x9d: {  	s1 =	sshra.s32 s31, $0x2;
	[sflag:s30] =	ssyncset.done $0x0  }
0x9e: {  	s5 =	sadd.s32 $0x2680, s1;
	[sflag:s30] =	ssyncadd.s32 $0xFFFFC000  }
0x9f: {  	[tilespmem:s22], [sflag:$0x2] =	stream.indirect.gather [hbm4b:s4+s20], $0x80, s5, s20, $0xb8;
	[tilespmem:$0x1F400] =	vst v63  }
0xa0: {  	s6 =	sadd.s32 $0x3980, s1  }
0xa1: {  	[spmem:s2] =	stream.indirect.scatter.add.f32 [tilespmem:s19], [sflag:$0x3], $0x80, s6, s20, $0xb8;
	[tilespmem:$0x1F400] =	vst v63  }
0xa2: {  	p2 =	seq.s32 s31, $0x0;
	_ =	swait.ge [sflag:s24], $0x4000  }
.Ltmp5:
0xa3: {  	[sflag:s24] =	ssyncset.done $0x0;
	(pc) =	sbr.rel @p2 .LBB2_9-.Ltmp5, $4  }
0xa4: {  	[sflag:s24] =	ssyncadd.s32 $0xFFFFC000  }
0xa5: {  	_ =	swait.ge [sflag:s26], $0x4000  }
0xa6: {  	[sflag:s26] =	ssyncset.done $0x0  }
0xa7: {  	s5 =	sadd.s32 $0x3A00, s1;
	[sflag:s26] =	ssyncadd.s32 $0xFFFFC000  }
.Ltmp6:
0xa8: {  	(pc) =	sbr.rel .LBB2_7-.Ltmp6, $4  }
0xa9: {  	s1 =	sadd.s32 $0x2700, s1  }
0xaa: {  	[tilespmem:s19], [sflag:$0x1] =	stream.indirect.gather [hbm4b:s4+s20], $0x80, s1, s20, $0xb8;
	[tilespmem:$0x1F400] =	vst v63  }
0xab: {  	s31 =	sadd.s32 $0x400, s31  }
0xac: {  	[spmem:s2] =	stream.indirect.scatter.add.f32 [tilespmem:s22], [sflag:$0x4], $0x80, s5, s20, $0xb8;
	[tilespmem:$0x1F400] =	vst v63  }
.LBB2_10:
0xad: {  	_ =	sfence.sel $0x180000  }
0xae: {  	[bflag:$0x0] =	sbarrier.arrive $0xFFFF  }
0xaf: {  	_ =	strace $0x90000047  }
0xb0: {  	s0 =	stileid.u32;
	[bflag:$0x2] =	sbarrier.arrive $0xFFFF  }
0xb1: {  	p0 =	sne.s32 s0, $0x0;
	s0 =	rddreg [dreg:$0x3]  }
0xb2: {  	s0 =	sadd.s32 @!p0 $0x100000, s0  }
0xb3: {  	[sflag:s0] =	ssyncadd.tile.s32 @!p0 $0x1;
	_ =	shalt  }
.Lfunc_end2:
_tile_overlayer_lowered:
.L_overlay_start_2:
0xb4: {  	(tag) =	ssettag $0x2  }
0xb5: {  	s0 =	rddreg [dreg:$0x0];
	s2 =	stileid.u32  }
0xb6: {  	s1 =	rddreg [dreg:$0x1];
	p0 =	sne.s32 s2, $0x0  }
0xb7: {  	s3 =	rddreg [dreg:$0x2];
	[bflag:$0x3] =	sbarrier.arrive $0xFFFF;
	s2 =	simm.s32 @!p0 $0x1C05  }
0xb8: {  	[timem:s3], [sflag:s2] =	dma.local @!p0 [hbm:s0], s1  }
0xb9: {  	s0 =	simm.s32 @!p0 $0x5  }
0xba: {  	_ =	swait.ge @!p0 [sflag:s0], s1  }
0xbb: {  	s1 =	ssub.s32 @!p0 $0x0, s1;
	[sflag:s0] =	ssyncset.done @!p0 $0x0  }
0xbc: {  	[sflag:s0] =	ssyncadd.s32 @!p0 s1  }
0xbd: {  	[bflag:$0x3] =	sbarrier.arrive $0xFFFF  }
0xbe: {  	_ =	shalt  }

</sc_bundles>
